<compile_context>
chip_gen: v7x
topology: tpu7x:2x2x1
jax: 0.10.2.dev20260603
libtpu: 0.0.44.dev20260713+nightly
codegen_flags: <defaults>
</compile_context>

<pallas_src>
import functools
import numpy as np
import jax
from jax import lax
import jax.numpy as jnp
from jax.experimental import pallas as pl
from jax.experimental.pallas import tpu as pltpu
from jax.experimental.pallas import tpu_sc as plsc

_B = 128
_CC, _HH, _WW = 3, 224, 224
_NPOS = _CC * _HH * _WW
_ALPHA = 0.9
_BETA = 1.0 - _ALPHA

_NC, _NS, _L = 2, 16, 16
_NW = _NC * _NS
_PPW = _NPOS // _NW
_P = 168
_STEPS = _PPW // _P
_NG = _B // _L


_PERM = np.asarray([
    98, 105, 103, 43, 22, 94, 86, 125, 49, 0, 45, 108, 56, 121, 62, 109,
    3, 77, 9, 64, 5, 52, 50, 37, 78, 95, 30, 117, 127, 71, 53, 34,
    83, 18, 14, 116, 46, 1, 74, 124, 58, 92, 51, 81, 107, 48, 100, 42,
    106, 8, 69, 101, 90, 110, 66, 65, 21, 17, 67, 4, 32, 102, 27, 33,
    75, 89, 70, 123, 63, 104, 13, 39, 73, 85, 79, 120, 91, 41, 115, 6,
    59, 2, 57, 35, 99, 19, 40, 72, 118, 54, 80, 31, 126, 26, 97, 36,
    38, 25, 47, 61, 96, 15, 28, 68, 60, 82, 112, 55, 44, 119, 11, 114,
    10, 122, 76, 93, 84, 87, 16, 12, 88, 23, 29, 24, 7, 113, 111, 20,
], dtype=np.int32)

_PTAB = _PERM.reshape(_NG, _L)


def _axpy_chunk(pvecs, in_ref, o_ref):
    @plsc.parallel_loop(0, _P, unroll=2)
    def it(n):
        rown = jnp.full((_L,), n, jnp.int32)
        for k in range(_NG):
            sl = pl.ds(k * _L, _L)
            direct = in_ref[n, sl]
            mixed = plsc.load_gather(in_ref, [rown, pvecs[k]])
            o_ref[n, sl] = _ALPHA * direct + _BETA * mixed


def _sc_body(x_hbm, out_hbm,
             i0, i1, o0, o1, si0, si1, so0, so1):
    wid = lax.axis_index("s") * _NC + lax.axis_index("c")
    base = wid * _PPW
    ibufs, obufs = (i0, i1), (o0, o1)
    sis, sos = (si0, si1), (so0, so1)

    lane = lax.iota(jnp.int32, _L)
    pvecs = []
    for k in range(_NG):
        v = lane * 0
        for l in range(_L):
            v = jnp.where(lane == l, int(_PTAB[k, l]), v)
        pvecs.append(v)

    def src(s):
        return x_hbm.at[pl.ds(base + _P * s, _P)]

    def dst(s):
        return out_hbm.at[pl.ds(base + _P * s, _P)]

    for j in range(2):
        pltpu.make_async_copy(src(j), ibufs[j], sis[j]).start()

    def step(g, carry):
        for j in range(2):
            s = g * 2 + j
            pltpu.make_async_copy(src(s), ibufs[j], sis[j]).wait()

            @pl.when(s >= 2)
            def _():
                pltpu.make_async_copy(obufs[j], dst(s - 2), sos[j]).wait()

            _axpy_chunk(pvecs, ibufs[j], obufs[j])
            pltpu.make_async_copy(obufs[j], dst(s), sos[j]).start()

            @pl.when(s < _STEPS - 2)
            def _():
                pltpu.make_async_copy(src(s + 2), ibufs[j], sis[j]).start()
        return carry

    lax.fori_loop(0, _STEPS // 2, step, 0)

    for j in range(2):
        pltpu.make_async_copy(obufs[j], dst(_STEPS - 2 + j), sos[j]).wait()


@functools.partial(
    pl.kernel,
    out_type=jax.ShapeDtypeStruct((_NPOS, _B), jnp.float32),
    mesh=plsc.VectorSubcoreMesh(core_axis_name="c", subcore_axis_name="s"),
    compiler_params=pltpu.CompilerParams(needs_layout_passes=False),
    scratch_types=[
        pltpu.VMEM((_P, _B), jnp.float32),
        pltpu.VMEM((_P, _B), jnp.float32),
        pltpu.VMEM((_P, _B), jnp.float32),
        pltpu.VMEM((_P, _B), jnp.float32),
        pltpu.SemaphoreType.DMA,
        pltpu.SemaphoreType.DMA,
        pltpu.SemaphoreType.DMA,
        pltpu.SemaphoreType.DMA,
    ],
)
def _mixup_sc(x_hbm, out_hbm, *scratch):
    _sc_body(x_hbm, out_hbm, *scratch)


def kernel(x):
    xt = jnp.transpose(x, (1, 2, 3, 0)).reshape(_NPOS, _B)
    ot = _mixup_sc(xt)
    return ot.reshape(_CC, _HH, _WW, _B).transpose(3, 0, 1, 2)

# --- scband reference (transcript-rebuilt; emitter-appended) ---
"""Pipeline reference for scband-diff-mixup-84138409329139 (READ-ONLY COPY).

The authoritative reference and input builder live on the scoring server;
editing this copy changes nothing except your own understanding.
"""

import jax, jax.numpy as jnp
import numpy as np

ALPHA = 0.9

def setup_inputs(seed: int = 0) -> dict:
    key = jax.random.key(seed)
    x = jax.random.normal(key, (128, 3, 224, 224), dtype=jnp.float32)
    return {"x": x}

def reference(x):
    # torch.randperm(x.size(0)) -> deterministic jax permutation with fixed key
    perm_key = jax.random.fold_in(jax.random.key(0), 1)
    index = jax.random.permutation(perm_key, x.shape[0])
    img1 = x
    img2 = jnp.take(x, index, axis=0)  # gather along batch dim
    # .detach() on img2 -> stop_gradient (no effect on fwd values)
    img2 = jax.lax.stop_gradient(img2)
    return ALPHA * img1 + (1.0 - ALPHA) * img2

if __name__ == "__main__":
    import jax
    _d = setup_inputs()
    print(jax.jit(kernel)(*tuple(_d.values())))

</pallas_src>

<mosaic_0001>
#map = affine_map<(d0, d1) -> (0, 0)>
module attributes {stable_mosaic.version = 14 : i64} {
  func.func @_mixup_sc(%arg0: i32, %arg1: i32, %arg2: memref<150528x128xf32, #tpu.memory_space<hbm>>, %arg3: memref<150528x128xf32, #tpu.memory_space<hbm>>, %arg4: memref<168x128xf32, #tpu.memory_space<vmem>>, %arg5: memref<168x128xf32, #tpu.memory_space<vmem>>, %arg6: memref<168x128xf32, #tpu.memory_space<vmem>>, %arg7: memref<168x128xf32, #tpu.memory_space<vmem>>, %arg8: memref<!tpu.dma_semaphore, #tpu.memory_space<semaphore_mem>>, %arg9: memref<!tpu.dma_semaphore, #tpu.memory_space<semaphore_mem>>, %arg10: memref<!tpu.dma_semaphore, #tpu.memory_space<semaphore_mem>>, %arg11: memref<!tpu.dma_semaphore, #tpu.memory_space<semaphore_mem>>) attributes {dimension_semantics = [#tpu.dimension_semantics<core_parallel>, #tpu.dimension_semantics<subcore_parallel>], iteration_bounds = array<i64: 2, 16>, scalar_prefetch = 0 : i64, scratch_operands = 8 : i64, tpu.core_type = #tpu.core_type<sc_vector_subcore>, window_params = [{transform_indices = #map}, {transform_indices = #map}]} {
    %mul3A = arith.constant 2 : i32
    %mul3A_0 = arith.muli %arg1, %mul3A : i32
    %add3A = arith.addi %mul3A_0, %arg0 : i32
    %mul3A_1 = arith.constant 4704 : i32
    %mul3A_2 = arith.muli %add3A, %mul3A_1 : i32
    %iota3A = tpu.iota {dimensions = array<i32: 0>} : vector<16xi32>
    %mul3A_3 = arith.constant 0 : i32
    %mul3A_4 = vector.broadcast %mul3A_3 : i32 to vector<16xi32>
    %mul3A_5 = arith.muli %iota3A, %mul3A_4 : vector<16xi32>
    %eq3A = arith.constant 0 : i32
    %eq3A_6 = vector.broadcast %eq3A : i32 to vector<16xi32>
    %eq3A_7 = arith.cmpi eq, %iota3A, %eq3A_6 : vector<16xi32>
    %jit3A = arith.constant 98 : i32
    %broadcast_in_dim3A = vector.broadcast %jit3A : i32 to vector<16xi32>
    %select_n3A = arith.select %eq3A_7, %broadcast_in_dim3A, %mul3A_5 : vector<16xi1>, vector<16xi32>
    %eq3A_8 = arith.constant 1 : i32
    %eq3A_9 = vector.broadcast %eq3A_8 : i32 to vector<16xi32>
    %eq3A_10 = arith.cmpi eq, %iota3A, %eq3A_9 : vector<16xi32>
    %jit3A_11 = arith.constant 105 : i32
    %broadcast_in_dim3A_12 = vector.broadcast %jit3A_11 : i32 to vector<16xi32>
    %select_n3A_13 = arith.select %eq3A_10, %broadcast_in_dim3A_12, %select_n3A : vector<16xi1>, vector<16xi32>
    %eq3A_14 = arith.constant 2 : i32
    %eq3A_15 = vector.broadcast %eq3A_14 : i32 to vector<16xi32>
    %eq3A_16 = arith.cmpi eq, %iota3A, %eq3A_15 : vector<16xi32>
    %jit3A_17 = arith.constant 103 : i32
    %broadcast_in_dim3A_18 = vector.broadcast %jit3A_17 : i32 to vector<16xi32>
    %select_n3A_19 = arith.select %eq3A_16, %broadcast_in_dim3A_18, %select_n3A_13 : vector<16xi1>, vector<16xi32>
    %eq3A_20 = arith.constant 3 : i32
    %eq3A_21 = vector.broadcast %eq3A_20 : i32 to vector<16xi32>
    %eq3A_22 = arith.cmpi eq, %iota3A, %eq3A_21 : vector<16xi32>
    %jit3A_23 = arith.constant 43 : i32
    %broadcast_in_dim3A_24 = vector.broadcast %jit3A_23 : i32 to vector<16xi32>
    %select_n3A_25 = arith.select %eq3A_22, %broadcast_in_dim3A_24, %select_n3A_19 : vector<16xi1>, vector<16xi32>
    %eq3A_26 = arith.constant 4 : i32
    %eq3A_27 = vector.broadcast %eq3A_26 : i32 to vector<16xi32>
    %eq3A_28 = arith.cmpi eq, %iota3A, %eq3A_27 : vector<16xi32>
    %jit3A_29 = arith.constant 22 : i32
    %broadcast_in_dim3A_30 = vector.broadcast %jit3A_29 : i32 to vector<16xi32>
    %select_n3A_31 = arith.select %eq3A_28, %broadcast_in_dim3A_30, %select_n3A_25 : vector<16xi1>, vector<16xi32>
    %eq3A_32 = arith.constant 5 : i32
    %eq3A_33 = vector.broadcast %eq3A_32 : i32 to vector<16xi32>
    %eq3A_34 = arith.cmpi eq, %iota3A, %eq3A_33 : vector<16xi32>
    %jit3A_35 = arith.constant 94 : i32
    %broadcast_in_dim3A_36 = vector.broadcast %jit3A_35 : i32 to vector<16xi32>
    %select_n3A_37 = arith.select %eq3A_34, %broadcast_in_dim3A_36, %select_n3A_31 : vector<16xi1>, vector<16xi32>
    %eq3A_38 = arith.constant 6 : i32
    %eq3A_39 = vector.broadcast %eq3A_38 : i32 to vector<16xi32>
    %eq3A_40 = arith.cmpi eq, %iota3A, %eq3A_39 : vector<16xi32>
    %jit3A_41 = arith.constant 86 : i32
    %broadcast_in_dim3A_42 = vector.broadcast %jit3A_41 : i32 to vector<16xi32>
    %select_n3A_43 = arith.select %eq3A_40, %broadcast_in_dim3A_42, %select_n3A_37 : vector<16xi1>, vector<16xi32>
    %eq3A_44 = arith.constant 7 : i32
    %eq3A_45 = vector.broadcast %eq3A_44 : i32 to vector<16xi32>
    %eq3A_46 = arith.cmpi eq, %iota3A, %eq3A_45 : vector<16xi32>
    %jit3A_47 = arith.constant 125 : i32
    %broadcast_in_dim3A_48 = vector.broadcast %jit3A_47 : i32 to vector<16xi32>
    %select_n3A_49 = arith.select %eq3A_46, %broadcast_in_dim3A_48, %select_n3A_43 : vector<16xi1>, vector<16xi32>
    %eq3A_50 = arith.constant 8 : i32
    %eq3A_51 = vector.broadcast %eq3A_50 : i32 to vector<16xi32>
    %eq3A_52 = arith.cmpi eq, %iota3A, %eq3A_51 : vector<16xi32>
    %jit3A_53 = arith.constant 49 : i32
    %broadcast_in_dim3A_54 = vector.broadcast %jit3A_53 : i32 to vector<16xi32>
    %select_n3A_55 = arith.select %eq3A_52, %broadcast_in_dim3A_54, %select_n3A_49 : vector<16xi1>, vector<16xi32>
    %eq3A_56 = arith.constant 9 : i32
    %eq3A_57 = vector.broadcast %eq3A_56 : i32 to vector<16xi32>
    %eq3A_58 = arith.cmpi eq, %iota3A, %eq3A_57 : vector<16xi32>
    %jit3A_59 = arith.constant 0 : i32
    %broadcast_in_dim3A_60 = vector.broadcast %jit3A_59 : i32 to vector<16xi32>
    %select_n3A_61 = arith.select %eq3A_58, %broadcast_in_dim3A_60, %select_n3A_55 : vector<16xi1>, vector<16xi32>
    %eq3A_62 = arith.constant 10 : i32
    %eq3A_63 = vector.broadcast %eq3A_62 : i32 to vector<16xi32>
    %eq3A_64 = arith.cmpi eq, %iota3A, %eq3A_63 : vector<16xi32>
    %jit3A_65 = arith.constant 45 : i32
    %broadcast_in_dim3A_66 = vector.broadcast %jit3A_65 : i32 to vector<16xi32>
    %select_n3A_67 = arith.select %eq3A_64, %broadcast_in_dim3A_66, %select_n3A_61 : vector<16xi1>, vector<16xi32>
    %eq3A_68 = arith.constant 11 : i32
    %eq3A_69 = vector.broadcast %eq3A_68 : i32 to vector<16xi32>
    %eq3A_70 = arith.cmpi eq, %iota3A, %eq3A_69 : vector<16xi32>
    %jit3A_71 = arith.constant 108 : i32
    %broadcast_in_dim3A_72 = vector.broadcast %jit3A_71 : i32 to vector<16xi32>
    %select_n3A_73 = arith.select %eq3A_70, %broadcast_in_dim3A_72, %select_n3A_67 : vector<16xi1>, vector<16xi32>
    %eq3A_74 = arith.constant 12 : i32
    %eq3A_75 = vector.broadcast %eq3A_74 : i32 to vector<16xi32>
    %eq3A_76 = arith.cmpi eq, %iota3A, %eq3A_75 : vector<16xi32>
    %jit3A_77 = arith.constant 56 : i32
    %broadcast_in_dim3A_78 = vector.broadcast %jit3A_77 : i32 to vector<16xi32>
    %select_n3A_79 = arith.select %eq3A_76, %broadcast_in_dim3A_78, %select_n3A_73 : vector<16xi1>, vector<16xi32>
    %eq3A_80 = arith.constant 13 : i32
    %eq3A_81 = vector.broadcast %eq3A_80 : i32 to vector<16xi32>
    %eq3A_82 = arith.cmpi eq, %iota3A, %eq3A_81 : vector<16xi32>
    %jit3A_83 = arith.constant 121 : i32
    %broadcast_in_dim3A_84 = vector.broadcast %jit3A_83 : i32 to vector<16xi32>
    %select_n3A_85 = arith.select %eq3A_82, %broadcast_in_dim3A_84, %select_n3A_79 : vector<16xi1>, vector<16xi32>
    %eq3A_86 = arith.constant 14 : i32
    %eq3A_87 = vector.broadcast %eq3A_86 : i32 to vector<16xi32>
    %eq3A_88 = arith.cmpi eq, %iota3A, %eq3A_87 : vector<16xi32>
    %jit3A_89 = arith.constant 62 : i32
    %broadcast_in_dim3A_90 = vector.broadcast %jit3A_89 : i32 to vector<16xi32>
    %select_n3A_91 = arith.select %eq3A_88, %broadcast_in_dim3A_90, %select_n3A_85 : vector<16xi1>, vector<16xi32>
    %eq3A_92 = arith.constant 15 : i32
    %eq3A_93 = vector.broadcast %eq3A_92 : i32 to vector<16xi32>
    %eq3A_94 = arith.cmpi eq, %iota3A, %eq3A_93 : vector<16xi32>
    %jit3A_95 = arith.constant 109 : i32
    %broadcast_in_dim3A_96 = vector.broadcast %jit3A_95 : i32 to vector<16xi32>
    %select_n3A_97 = arith.select %eq3A_94, %broadcast_in_dim3A_96, %select_n3A_91 : vector<16xi1>, vector<16xi32>
    %mul3A_98 = arith.constant 0 : i32
    %mul3A_99 = vector.broadcast %mul3A_98 : i32 to vector<16xi32>
    %mul3A_100 = arith.muli %iota3A, %mul3A_99 : vector<16xi32>
    %eq3A_101 = arith.constant 0 : i32
    %eq3A_102 = vector.broadcast %eq3A_101 : i32 to vector<16xi32>
    %eq3A_103 = arith.cmpi eq, %iota3A, %eq3A_102 : vector<16xi32>
    %jit3A_104 = arith.constant 3 : i32
    %broadcast_in_dim3A_105 = vector.broadcast %jit3A_104 : i32 to vector<16xi32>
    %select_n3A_106 = arith.select %eq3A_103, %broadcast_in_dim3A_105, %mul3A_100 : vector<16xi1>, vector<16xi32>
    %eq3A_107 = arith.constant 1 : i32
    %eq3A_108 = vector.broadcast %eq3A_107 : i32 to vector<16xi32>
    %eq3A_109 = arith.cmpi eq, %iota3A, %eq3A_108 : vector<16xi32>
    %jit3A_110 = arith.constant 77 : i32
    %broadcast_in_dim3A_111 = vector.broadcast %jit3A_110 : i32 to vector<16xi32>
    %select_n3A_112 = arith.select %eq3A_109, %broadcast_in_dim3A_111, %select_n3A_106 : vector<16xi1>, vector<16xi32>
    %eq3A_113 = arith.constant 2 : i32
    %eq3A_114 = vector.broadcast %eq3A_113 : i32 to vector<16xi32>
    %eq3A_115 = arith.cmpi eq, %iota3A, %eq3A_114 : vector<16xi32>
    %jit3A_116 = arith.constant 9 : i32
    %broadcast_in_dim3A_117 = vector.broadcast %jit3A_116 : i32 to vector<16xi32>
    %select_n3A_118 = arith.select %eq3A_115, %broadcast_in_dim3A_117, %select_n3A_112 : vector<16xi1>, vector<16xi32>
    %eq3A_119 = arith.constant 3 : i32
    %eq3A_120 = vector.broadcast %eq3A_119 : i32 to vector<16xi32>
    %eq3A_121 = arith.cmpi eq, %iota3A, %eq3A_120 : vector<16xi32>
    %jit3A_122 = arith.constant 64 : i32
    %broadcast_in_dim3A_123 = vector.broadcast %jit3A_122 : i32 to vector<16xi32>
    %select_n3A_124 = arith.select %eq3A_121, %broadcast_in_dim3A_123, %select_n3A_118 : vector<16xi1>, vector<16xi32>
    %eq3A_125 = arith.constant 4 : i32
    %eq3A_126 = vector.broadcast %eq3A_125 : i32 to vector<16xi32>
    %eq3A_127 = arith.cmpi eq, %iota3A, %eq3A_126 : vector<16xi32>
    %jit3A_128 = arith.constant 5 : i32
    %broadcast_in_dim3A_129 = vector.broadcast %jit3A_128 : i32 to vector<16xi32>
    %select_n3A_130 = arith.select %eq3A_127, %broadcast_in_dim3A_129, %select_n3A_124 : vector<16xi1>, vector<16xi32>
    %eq3A_131 = arith.constant 5 : i32
    %eq3A_132 = vector.broadcast %eq3A_131 : i32 to vector<16xi32>
    %eq3A_133 = arith.cmpi eq, %iota3A, %eq3A_132 : vector<16xi32>
    %jit3A_134 = arith.constant 52 : i32
    %broadcast_in_dim3A_135 = vector.broadcast %jit3A_134 : i32 to vector<16xi32>
    %select_n3A_136 = arith.select %eq3A_133, %broadcast_in_dim3A_135, %select_n3A_130 : vector<16xi1>, vector<16xi32>
    %eq3A_137 = arith.constant 6 : i32
    %eq3A_138 = vector.broadcast %eq3A_137 : i32 to vector<16xi32>
    %eq3A_139 = arith.cmpi eq, %iota3A, %eq3A_138 : vector<16xi32>
    %jit3A_140 = arith.constant 50 : i32
    %broadcast_in_dim3A_141 = vector.broadcast %jit3A_140 : i32 to vector<16xi32>
    %select_n3A_142 = arith.select %eq3A_139, %broadcast_in_dim3A_141, %select_n3A_136 : vector<16xi1>, vector<16xi32>
    %eq3A_143 = arith.constant 7 : i32
    %eq3A_144 = vector.broadcast %eq3A_143 : i32 to vector<16xi32>
    %eq3A_145 = arith.cmpi eq, %iota3A, %eq3A_144 : vector<16xi32>
    %jit3A_146 = arith.constant 37 : i32
    %broadcast_in_dim3A_147 = vector.broadcast %jit3A_146 : i32 to vector<16xi32>
    %select_n3A_148 = arith.select %eq3A_145, %broadcast_in_dim3A_147, %select_n3A_142 : vector<16xi1>, vector<16xi32>
    %eq3A_149 = arith.constant 8 : i32
    %eq3A_150 = vector.broadcast %eq3A_149 : i32 to vector<16xi32>
    %eq3A_151 = arith.cmpi eq, %iota3A, %eq3A_150 : vector<16xi32>
    %jit3A_152 = arith.constant 78 : i32
    %broadcast_in_dim3A_153 = vector.broadcast %jit3A_152 : i32 to vector<16xi32>
    %select_n3A_154 = arith.select %eq3A_151, %broadcast_in_dim3A_153, %select_n3A_148 : vector<16xi1>, vector<16xi32>
    %eq3A_155 = arith.constant 9 : i32
    %eq3A_156 = vector.broadcast %eq3A_155 : i32 to vector<16xi32>
    %eq3A_157 = arith.cmpi eq, %iota3A, %eq3A_156 : vector<16xi32>
    %jit3A_158 = arith.constant 95 : i32
    %broadcast_in_dim3A_159 = vector.broadcast %jit3A_158 : i32 to vector<16xi32>
    %select_n3A_160 = arith.select %eq3A_157, %broadcast_in_dim3A_159, %select_n3A_154 : vector<16xi1>, vector<16xi32>
    %eq3A_161 = arith.constant 10 : i32
    %eq3A_162 = vector.broadcast %eq3A_161 : i32 to vector<16xi32>
    %eq3A_163 = arith.cmpi eq, %iota3A, %eq3A_162 : vector<16xi32>
    %jit3A_164 = arith.constant 30 : i32
    %broadcast_in_dim3A_165 = vector.broadcast %jit3A_164 : i32 to vector<16xi32>
    %select_n3A_166 = arith.select %eq3A_163, %broadcast_in_dim3A_165, %select_n3A_160 : vector<16xi1>, vector<16xi32>
    %eq3A_167 = arith.constant 11 : i32
    %eq3A_168 = vector.broadcast %eq3A_167 : i32 to vector<16xi32>
    %eq3A_169 = arith.cmpi eq, %iota3A, %eq3A_168 : vector<16xi32>
    %jit3A_170 = arith.constant 117 : i32
    %broadcast_in_dim3A_171 = vector.broadcast %jit3A_170 : i32 to vector<16xi32>
    %select_n3A_172 = arith.select %eq3A_169, %broadcast_in_dim3A_171, %select_n3A_166 : vector<16xi1>, vector<16xi32>
    %eq3A_173 = arith.constant 12 : i32
    %eq3A_174 = vector.broadcast %eq3A_173 : i32 to vector<16xi32>
    %eq3A_175 = arith.cmpi eq, %iota3A, %eq3A_174 : vector<16xi32>
    %jit3A_176 = arith.constant 127 : i32
    %broadcast_in_dim3A_177 = vector.broadcast %jit3A_176 : i32 to vector<16xi32>
    %select_n3A_178 = arith.select %eq3A_175, %broadcast_in_dim3A_177, %select_n3A_172 : vector<16xi1>, vector<16xi32>
    %eq3A_179 = arith.constant 13 : i32
    %eq3A_180 = vector.broadcast %eq3A_179 : i32 to vector<16xi32>
    %eq3A_181 = arith.cmpi eq, %iota3A, %eq3A_180 : vector<16xi32>
    %jit3A_182 = arith.constant 71 : i32
    %broadcast_in_dim3A_183 = vector.broadcast %jit3A_182 : i32 to vector<16xi32>
    %select_n3A_184 = arith.select %eq3A_181, %broadcast_in_dim3A_183, %select_n3A_178 : vector<16xi1>, vector<16xi32>
    %eq3A_185 = arith.constant 14 : i32
    %eq3A_186 = vector.broadcast %eq3A_185 : i32 to vector<16xi32>
    %eq3A_187 = arith.cmpi eq, %iota3A, %eq3A_186 : vector<16xi32>
    %jit3A_188 = arith.constant 53 : i32
    %broadcast_in_dim3A_189 = vector.broadcast %jit3A_188 : i32 to vector<16xi32>
    %select_n3A_190 = arith.select %eq3A_187, %broadcast_in_dim3A_189, %select_n3A_184 : vector<16xi1>, vector<16xi32>
    %eq3A_191 = arith.constant 15 : i32
    %eq3A_192 = vector.broadcast %eq3A_191 : i32 to vector<16xi32>
    %eq3A_193 = arith.cmpi eq, %iota3A, %eq3A_192 : vector<16xi32>
    %jit3A_194 = arith.constant 34 : i32
    %broadcast_in_dim3A_195 = vector.broadcast %jit3A_194 : i32 to vector<16xi32>
    %select_n3A_196 = arith.select %eq3A_193, %broadcast_in_dim3A_195, %select_n3A_190 : vector<16xi1>, vector<16xi32>
    %mul3A_197 = arith.constant 0 : i32
    %mul3A_198 = vector.broadcast %mul3A_197 : i32 to vector<16xi32>
    %mul3A_199 = arith.muli %iota3A, %mul3A_198 : vector<16xi32>
    %eq3A_200 = arith.constant 0 : i32
    %eq3A_201 = vector.broadcast %eq3A_200 : i32 to vector<16xi32>
    %eq3A_202 = arith.cmpi eq, %iota3A, %eq3A_201 : vector<16xi32>
    %jit3A_203 = arith.constant 83 : i32
    %broadcast_in_dim3A_204 = vector.broadcast %jit3A_203 : i32 to vector<16xi32>
    %select_n3A_205 = arith.select %eq3A_202, %broadcast_in_dim3A_204, %mul3A_199 : vector<16xi1>, vector<16xi32>
    %eq3A_206 = arith.constant 1 : i32
    %eq3A_207 = vector.broadcast %eq3A_206 : i32 to vector<16xi32>
    %eq3A_208 = arith.cmpi eq, %iota3A, %eq3A_207 : vector<16xi32>
    %jit3A_209 = arith.constant 18 : i32
    %broadcast_in_dim3A_210 = vector.broadcast %jit3A_209 : i32 to vector<16xi32>
    %select_n3A_211 = arith.select %eq3A_208, %broadcast_in_dim3A_210, %select_n3A_205 : vector<16xi1>, vector<16xi32>
    %eq3A_212 = arith.constant 2 : i32
    %eq3A_213 = vector.broadcast %eq3A_212 : i32 to vector<16xi32>
    %eq3A_214 = arith.cmpi eq, %iota3A, %eq3A_213 : vector<16xi32>
    %jit3A_215 = arith.constant 14 : i32
    %broadcast_in_dim3A_216 = vector.broadcast %jit3A_215 : i32 to vector<16xi32>
    %select_n3A_217 = arith.select %eq3A_214, %broadcast_in_dim3A_216, %select_n3A_211 : vector<16xi1>, vector<16xi32>
    %eq3A_218 = arith.constant 3 : i32
    %eq3A_219 = vector.broadcast %eq3A_218 : i32 to vector<16xi32>
    %eq3A_220 = arith.cmpi eq, %iota3A, %eq3A_219 : vector<16xi32>
    %jit3A_221 = arith.constant 116 : i32
    %broadcast_in_dim3A_222 = vector.broadcast %jit3A_221 : i32 to vector<16xi32>
    %select_n3A_223 = arith.select %eq3A_220, %broadcast_in_dim3A_222, %select_n3A_217 : vector<16xi1>, vector<16xi32>
    %eq3A_224 = arith.constant 4 : i32
    %eq3A_225 = vector.broadcast %eq3A_224 : i32 to vector<16xi32>
    %eq3A_226 = arith.cmpi eq, %iota3A, %eq3A_225 : vector<16xi32>
    %jit3A_227 = arith.constant 46 : i32
    %broadcast_in_dim3A_228 = vector.broadcast %jit3A_227 : i32 to vector<16xi32>
    %select_n3A_229 = arith.select %eq3A_226, %broadcast_in_dim3A_228, %select_n3A_223 : vector<16xi1>, vector<16xi32>
    %eq3A_230 = arith.constant 5 : i32
    %eq3A_231 = vector.broadcast %eq3A_230 : i32 to vector<16xi32>
    %eq3A_232 = arith.cmpi eq, %iota3A, %eq3A_231 : vector<16xi32>
    %jit3A_233 = arith.constant 1 : i32
    %broadcast_in_dim3A_234 = vector.broadcast %jit3A_233 : i32 to vector<16xi32>
    %select_n3A_235 = arith.select %eq3A_232, %broadcast_in_dim3A_234, %select_n3A_229 : vector<16xi1>, vector<16xi32>
    %eq3A_236 = arith.constant 6 : i32
    %eq3A_237 = vector.broadcast %eq3A_236 : i32 to vector<16xi32>
    %eq3A_238 = arith.cmpi eq, %iota3A, %eq3A_237 : vector<16xi32>
    %jit3A_239 = arith.constant 74 : i32
    %broadcast_in_dim3A_240 = vector.broadcast %jit3A_239 : i32 to vector<16xi32>
    %select_n3A_241 = arith.select %eq3A_238, %broadcast_in_dim3A_240, %select_n3A_235 : vector<16xi1>, vector<16xi32>
    %eq3A_242 = arith.constant 7 : i32
    %eq3A_243 = vector.broadcast %eq3A_242 : i32 to vector<16xi32>
    %eq3A_244 = arith.cmpi eq, %iota3A, %eq3A_243 : vector<16xi32>
    %jit3A_245 = arith.constant 124 : i32
    %broadcast_in_dim3A_246 = vector.broadcast %jit3A_245 : i32 to vector<16xi32>
    %select_n3A_247 = arith.select %eq3A_244, %broadcast_in_dim3A_246, %select_n3A_241 : vector<16xi1>, vector<16xi32>
    %eq3A_248 = arith.constant 8 : i32
    %eq3A_249 = vector.broadcast %eq3A_248 : i32 to vector<16xi32>
    %eq3A_250 = arith.cmpi eq, %iota3A, %eq3A_249 : vector<16xi32>
    %jit3A_251 = arith.constant 58 : i32
    %broadcast_in_dim3A_252 = vector.broadcast %jit3A_251 : i32 to vector<16xi32>
    %select_n3A_253 = arith.select %eq3A_250, %broadcast_in_dim3A_252, %select_n3A_247 : vector<16xi1>, vector<16xi32>
    %eq3A_254 = arith.constant 9 : i32
    %eq3A_255 = vector.broadcast %eq3A_254 : i32 to vector<16xi32>
    %eq3A_256 = arith.cmpi eq, %iota3A, %eq3A_255 : vector<16xi32>
    %jit3A_257 = arith.constant 92 : i32
    %broadcast_in_dim3A_258 = vector.broadcast %jit3A_257 : i32 to vector<16xi32>
    %select_n3A_259 = arith.select %eq3A_256, %broadcast_in_dim3A_258, %select_n3A_253 : vector<16xi1>, vector<16xi32>
    %eq3A_260 = arith.constant 10 : i32
    %eq3A_261 = vector.broadcast %eq3A_260 : i32 to vector<16xi32>
    %eq3A_262 = arith.cmpi eq, %iota3A, %eq3A_261 : vector<16xi32>
    %jit3A_263 = arith.constant 51 : i32
    %broadcast_in_dim3A_264 = vector.broadcast %jit3A_263 : i32 to vector<16xi32>
    %select_n3A_265 = arith.select %eq3A_262, %broadcast_in_dim3A_264, %select_n3A_259 : vector<16xi1>, vector<16xi32>
    %eq3A_266 = arith.constant 11 : i32
    %eq3A_267 = vector.broadcast %eq3A_266 : i32 to vector<16xi32>
    %eq3A_268 = arith.cmpi eq, %iota3A, %eq3A_267 : vector<16xi32>
    %jit3A_269 = arith.constant 81 : i32
    %broadcast_in_dim3A_270 = vector.broadcast %jit3A_269 : i32 to vector<16xi32>
    %select_n3A_271 = arith.select %eq3A_268, %broadcast_in_dim3A_270, %select_n3A_265 : vector<16xi1>, vector<16xi32>
    %eq3A_272 = arith.constant 12 : i32
    %eq3A_273 = vector.broadcast %eq3A_272 : i32 to vector<16xi32>
    %eq3A_274 = arith.cmpi eq, %iota3A, %eq3A_273 : vector<16xi32>
    %jit3A_275 = arith.constant 107 : i32
    %broadcast_in_dim3A_276 = vector.broadcast %jit3A_275 : i32 to vector<16xi32>
    %select_n3A_277 = arith.select %eq3A_274, %broadcast_in_dim3A_276, %select_n3A_271 : vector<16xi1>, vector<16xi32>
    %eq3A_278 = arith.constant 13 : i32
    %eq3A_279 = vector.broadcast %eq3A_278 : i32 to vector<16xi32>
    %eq3A_280 = arith.cmpi eq, %iota3A, %eq3A_279 : vector<16xi32>
    %jit3A_281 = arith.constant 48 : i32
    %broadcast_in_dim3A_282 = vector.broadcast %jit3A_281 : i32 to vector<16xi32>
    %select_n3A_283 = arith.select %eq3A_280, %broadcast_in_dim3A_282, %select_n3A_277 : vector<16xi1>, vector<16xi32>
    %eq3A_284 = arith.constant 14 : i32
    %eq3A_285 = vector.broadcast %eq3A_284 : i32 to vector<16xi32>
    %eq3A_286 = arith.cmpi eq, %iota3A, %eq3A_285 : vector<16xi32>
    %jit3A_287 = arith.constant 100 : i32
    %broadcast_in_dim3A_288 = vector.broadcast %jit3A_287 : i32 to vector<16xi32>
    %select_n3A_289 = arith.select %eq3A_286, %broadcast_in_dim3A_288, %select_n3A_283 : vector<16xi1>, vector<16xi32>
    %eq3A_290 = arith.constant 15 : i32
    %eq3A_291 = vector.broadcast %eq3A_290 : i32 to vector<16xi32>
    %eq3A_292 = arith.cmpi eq, %iota3A, %eq3A_291 : vector<16xi32>
    %jit3A_293 = arith.constant 42 : i32
    %broadcast_in_dim3A_294 = vector.broadcast %jit3A_293 : i32 to vector<16xi32>
    %select_n3A_295 = arith.select %eq3A_292, %broadcast_in_dim3A_294, %select_n3A_289 : vector<16xi1>, vector<16xi32>
    %mul3A_296 = arith.constant 0 : i32
    %mul3A_297 = vector.broadcast %mul3A_296 : i32 to vector<16xi32>
    %mul3A_298 = arith.muli %iota3A, %mul3A_297 : vector<16xi32>
    %eq3A_299 = arith.constant 0 : i32
    %eq3A_300 = vector.broadcast %eq3A_299 : i32 to vector<16xi32>
    %eq3A_301 = arith.cmpi eq, %iota3A, %eq3A_300 : vector<16xi32>
    %jit3A_302 = arith.constant 106 : i32
    %broadcast_in_dim3A_303 = vector.broadcast %jit3A_302 : i32 to vector<16xi32>
    %select_n3A_304 = arith.select %eq3A_301, %broadcast_in_dim3A_303, %mul3A_298 : vector<16xi1>, vector<16xi32>
    %eq3A_305 = arith.constant 1 : i32
    %eq3A_306 = vector.broadcast %eq3A_305 : i32 to vector<16xi32>
    %eq3A_307 = arith.cmpi eq, %iota3A, %eq3A_306 : vector<16xi32>
    %jit3A_308 = arith.constant 8 : i32
    %broadcast_in_dim3A_309 = vector.broadcast %jit3A_308 : i32 to vector<16xi32>
    %select_n3A_310 = arith.select %eq3A_307, %broadcast_in_dim3A_309, %select_n3A_304 : vector<16xi1>, vector<16xi32>
    %eq3A_311 = arith.constant 2 : i32
    %eq3A_312 = vector.broadcast %eq3A_311 : i32 to vector<16xi32>
    %eq3A_313 = arith.cmpi eq, %iota3A, %eq3A_312 : vector<16xi32>
    %jit3A_314 = arith.constant 69 : i32
    %broadcast_in_dim3A_315 = vector.broadcast %jit3A_314 : i32 to vector<16xi32>
    %select_n3A_316 = arith.select %eq3A_313, %broadcast_in_dim3A_315, %select_n3A_310 : vector<16xi1>, vector<16xi32>
    %eq3A_317 = arith.constant 3 : i32
    %eq3A_318 = vector.broadcast %eq3A_317 : i32 to vector<16xi32>
    %eq3A_319 = arith.cmpi eq, %iota3A, %eq3A_318 : vector<16xi32>
    %jit3A_320 = arith.constant 101 : i32
    %broadcast_in_dim3A_321 = vector.broadcast %jit3A_320 : i32 to vector<16xi32>
    %select_n3A_322 = arith.select %eq3A_319, %broadcast_in_dim3A_321, %select_n3A_316 : vector<16xi1>, vector<16xi32>
    %eq3A_323 = arith.constant 4 : i32
    %eq3A_324 = vector.broadcast %eq3A_323 : i32 to vector<16xi32>
    %eq3A_325 = arith.cmpi eq, %iota3A, %eq3A_324 : vector<16xi32>
    %jit3A_326 = arith.constant 90 : i32
    %broadcast_in_dim3A_327 = vector.broadcast %jit3A_326 : i32 to vector<16xi32>
    %select_n3A_328 = arith.select %eq3A_325, %broadcast_in_dim3A_327, %select_n3A_322 : vector<16xi1>, vector<16xi32>
    %eq3A_329 = arith.constant 5 : i32
    %eq3A_330 = vector.broadcast %eq3A_329 : i32 to vector<16xi32>
    %eq3A_331 = arith.cmpi eq, %iota3A, %eq3A_330 : vector<16xi32>
    %jit3A_332 = arith.constant 110 : i32
    %broadcast_in_dim3A_333 = vector.broadcast %jit3A_332 : i32 to vector<16xi32>
    %select_n3A_334 = arith.select %eq3A_331, %broadcast_in_dim3A_333, %select_n3A_328 : vector<16xi1>, vector<16xi32>
    %eq3A_335 = arith.constant 6 : i32
    %eq3A_336 = vector.broadcast %eq3A_335 : i32 to vector<16xi32>
    %eq3A_337 = arith.cmpi eq, %iota3A, %eq3A_336 : vector<16xi32>
    %jit3A_338 = arith.constant 66 : i32
    %broadcast_in_dim3A_339 = vector.broadcast %jit3A_338 : i32 to vector<16xi32>
    %select_n3A_340 = arith.select %eq3A_337, %broadcast_in_dim3A_339, %select_n3A_334 : vector<16xi1>, vector<16xi32>
    %eq3A_341 = arith.constant 7 : i32
    %eq3A_342 = vector.broadcast %eq3A_341 : i32 to vector<16xi32>
    %eq3A_343 = arith.cmpi eq, %iota3A, %eq3A_342 : vector<16xi32>
    %jit3A_344 = arith.constant 65 : i32
    %broadcast_in_dim3A_345 = vector.broadcast %jit3A_344 : i32 to vector<16xi32>
    %select_n3A_346 = arith.select %eq3A_343, %broadcast_in_dim3A_345, %select_n3A_340 : vector<16xi1>, vector<16xi32>
    %eq3A_347 = arith.constant 8 : i32
    %eq3A_348 = vector.broadcast %eq3A_347 : i32 to vector<16xi32>
    %eq3A_349 = arith.cmpi eq, %iota3A, %eq3A_348 : vector<16xi32>
    %jit3A_350 = arith.constant 21 : i32
    %broadcast_in_dim3A_351 = vector.broadcast %jit3A_350 : i32 to vector<16xi32>
    %select_n3A_352 = arith.select %eq3A_349, %broadcast_in_dim3A_351, %select_n3A_346 : vector<16xi1>, vector<16xi32>
    %eq3A_353 = arith.constant 9 : i32
    %eq3A_354 = vector.broadcast %eq3A_353 : i32 to vector<16xi32>
    %eq3A_355 = arith.cmpi eq, %iota3A, %eq3A_354 : vector<16xi32>
    %jit3A_356 = arith.constant 17 : i32
    %broadcast_in_dim3A_357 = vector.broadcast %jit3A_356 : i32 to vector<16xi32>
    %select_n3A_358 = arith.select %eq3A_355, %broadcast_in_dim3A_357, %select_n3A_352 : vector<16xi1>, vector<16xi32>
    %eq3A_359 = arith.constant 10 : i32
    %eq3A_360 = vector.broadcast %eq3A_359 : i32 to vector<16xi32>
    %eq3A_361 = arith.cmpi eq, %iota3A, %eq3A_360 : vector<16xi32>
    %jit3A_362 = arith.constant 67 : i32
    %broadcast_in_dim3A_363 = vector.broadcast %jit3A_362 : i32 to vector<16xi32>
    %select_n3A_364 = arith.select %eq3A_361, %broadcast_in_dim3A_363, %select_n3A_358 : vector<16xi1>, vector<16xi32>
    %eq3A_365 = arith.constant 11 : i32
    %eq3A_366 = vector.broadcast %eq3A_365 : i32 to vector<16xi32>
    %eq3A_367 = arith.cmpi eq, %iota3A, %eq3A_366 : vector<16xi32>
    %jit3A_368 = arith.constant 4 : i32
    %broadcast_in_dim3A_369 = vector.broadcast %jit3A_368 : i32 to vector<16xi32>
    %select_n3A_370 = arith.select %eq3A_367, %broadcast_in_dim3A_369, %select_n3A_364 : vector<16xi1>, vector<16xi32>
    %eq3A_371 = arith.constant 12 : i32
    %eq3A_372 = vector.broadcast %eq3A_371 : i32 to vector<16xi32>
    %eq3A_373 = arith.cmpi eq, %iota3A, %eq3A_372 : vector<16xi32>
    %jit3A_374 = arith.constant 32 : i32
    %broadcast_in_dim3A_375 = vector.broadcast %jit3A_374 : i32 to vector<16xi32>
    %select_n3A_376 = arith.select %eq3A_373, %broadcast_in_dim3A_375, %select_n3A_370 : vector<16xi1>, vector<16xi32>
    %eq3A_377 = arith.constant 13 : i32
    %eq3A_378 = vector.broadcast %eq3A_377 : i32 to vector<16xi32>
    %eq3A_379 = arith.cmpi eq, %iota3A, %eq3A_378 : vector<16xi32>
    %jit3A_380 = arith.constant 102 : i32
    %broadcast_in_dim3A_381 = vector.broadcast %jit3A_380 : i32 to vector<16xi32>
    %select_n3A_382 = arith.select %eq3A_379, %broadcast_in_dim3A_381, %select_n3A_376 : vector<16xi1>, vector<16xi32>
    %eq3A_383 = arith.constant 14 : i32
    %eq3A_384 = vector.broadcast %eq3A_383 : i32 to vector<16xi32>
    %eq3A_385 = arith.cmpi eq, %iota3A, %eq3A_384 : vector<16xi32>
    %jit3A_386 = arith.constant 27 : i32
    %broadcast_in_dim3A_387 = vector.broadcast %jit3A_386 : i32 to vector<16xi32>
    %select_n3A_388 = arith.select %eq3A_385, %broadcast_in_dim3A_387, %select_n3A_382 : vector<16xi1>, vector<16xi32>
    %eq3A_389 = arith.constant 15 : i32
    %eq3A_390 = vector.broadcast %eq3A_389 : i32 to vector<16xi32>
    %eq3A_391 = arith.cmpi eq, %iota3A, %eq3A_390 : vector<16xi32>
    %jit3A_392 = arith.constant 33 : i32
    %broadcast_in_dim3A_393 = vector.broadcast %jit3A_392 : i32 to vector<16xi32>
    %select_n3A_394 = arith.select %eq3A_391, %broadcast_in_dim3A_393, %select_n3A_388 : vector<16xi1>, vector<16xi32>
    %mul3A_395 = arith.constant 0 : i32
    %mul3A_396 = vector.broadcast %mul3A_395 : i32 to vector<16xi32>
    %mul3A_397 = arith.muli %iota3A, %mul3A_396 : vector<16xi32>
    %eq3A_398 = arith.constant 0 : i32
    %eq3A_399 = vector.broadcast %eq3A_398 : i32 to vector<16xi32>
    %eq3A_400 = arith.cmpi eq, %iota3A, %eq3A_399 : vector<16xi32>
    %jit3A_401 = arith.constant 75 : i32
    %broadcast_in_dim3A_402 = vector.broadcast %jit3A_401 : i32 to vector<16xi32>
    %select_n3A_403 = arith.select %eq3A_400, %broadcast_in_dim3A_402, %mul3A_397 : vector<16xi1>, vector<16xi32>
    %eq3A_404 = arith.constant 1 : i32
    %eq3A_405 = vector.broadcast %eq3A_404 : i32 to vector<16xi32>
    %eq3A_406 = arith.cmpi eq, %iota3A, %eq3A_405 : vector<16xi32>
    %jit3A_407 = arith.constant 89 : i32
    %broadcast_in_dim3A_408 = vector.broadcast %jit3A_407 : i32 to vector<16xi32>
    %select_n3A_409 = arith.select %eq3A_406, %broadcast_in_dim3A_408, %select_n3A_403 : vector<16xi1>, vector<16xi32>
    %eq3A_410 = arith.constant 2 : i32
    %eq3A_411 = vector.broadcast %eq3A_410 : i32 to vector<16xi32>
    %eq3A_412 = arith.cmpi eq, %iota3A, %eq3A_411 : vector<16xi32>
    %jit3A_413 = arith.constant 70 : i32
    %broadcast_in_dim3A_414 = vector.broadcast %jit3A_413 : i32 to vector<16xi32>
    %select_n3A_415 = arith.select %eq3A_412, %broadcast_in_dim3A_414, %select_n3A_409 : vector<16xi1>, vector<16xi32>
    %eq3A_416 = arith.constant 3 : i32
    %eq3A_417 = vector.broadcast %eq3A_416 : i32 to vector<16xi32>
    %eq3A_418 = arith.cmpi eq, %iota3A, %eq3A_417 : vector<16xi32>
    %jit3A_419 = arith.constant 123 : i32
    %broadcast_in_dim3A_420 = vector.broadcast %jit3A_419 : i32 to vector<16xi32>
    %select_n3A_421 = arith.select %eq3A_418, %broadcast_in_dim3A_420, %select_n3A_415 : vector<16xi1>, vector<16xi32>
    %eq3A_422 = arith.constant 4 : i32
    %eq3A_423 = vector.broadcast %eq3A_422 : i32 to vector<16xi32>
    %eq3A_424 = arith.cmpi eq, %iota3A, %eq3A_423 : vector<16xi32>
    %jit3A_425 = arith.constant 63 : i32
    %broadcast_in_dim3A_426 = vector.broadcast %jit3A_425 : i32 to vector<16xi32>
    %select_n3A_427 = arith.select %eq3A_424, %broadcast_in_dim3A_426, %select_n3A_421 : vector<16xi1>, vector<16xi32>
    %eq3A_428 = arith.constant 5 : i32
    %eq3A_429 = vector.broadcast %eq3A_428 : i32 to vector<16xi32>
    %eq3A_430 = arith.cmpi eq, %iota3A, %eq3A_429 : vector<16xi32>
    %jit3A_431 = arith.constant 104 : i32
    %broadcast_in_dim3A_432 = vector.broadcast %jit3A_431 : i32 to vector<16xi32>
    %select_n3A_433 = arith.select %eq3A_430, %broadcast_in_dim3A_432, %select_n3A_427 : vector<16xi1>, vector<16xi32>
    %eq3A_434 = arith.constant 6 : i32
    %eq3A_435 = vector.broadcast %eq3A_434 : i32 to vector<16xi32>
    %eq3A_436 = arith.cmpi eq, %iota3A, %eq3A_435 : vector<16xi32>
    %jit3A_437 = arith.constant 13 : i32
    %broadcast_in_dim3A_438 = vector.broadcast %jit3A_437 : i32 to vector<16xi32>
    %select_n3A_439 = arith.select %eq3A_436, %broadcast_in_dim3A_438, %select_n3A_433 : vector<16xi1>, vector<16xi32>
    %eq3A_440 = arith.constant 7 : i32
    %eq3A_441 = vector.broadcast %eq3A_440 : i32 to vector<16xi32>
    %eq3A_442 = arith.cmpi eq, %iota3A, %eq3A_441 : vector<16xi32>
    %jit3A_443 = arith.constant 39 : i32
    %broadcast_in_dim3A_444 = vector.broadcast %jit3A_443 : i32 to vector<16xi32>
    %select_n3A_445 = arith.select %eq3A_442, %broadcast_in_dim3A_444, %select_n3A_439 : vector<16xi1>, vector<16xi32>
    %eq3A_446 = arith.constant 8 : i32
    %eq3A_447 = vector.broadcast %eq3A_446 : i32 to vector<16xi32>
    %eq3A_448 = arith.cmpi eq, %iota3A, %eq3A_447 : vector<16xi32>
    %jit3A_449 = arith.constant 73 : i32
    %broadcast_in_dim3A_450 = vector.broadcast %jit3A_449 : i32 to vector<16xi32>
    %select_n3A_451 = arith.select %eq3A_448, %broadcast_in_dim3A_450, %select_n3A_445 : vector<16xi1>, vector<16xi32>
    %eq3A_452 = arith.constant 9 : i32
    %eq3A_453 = vector.broadcast %eq3A_452 : i32 to vector<16xi32>
    %eq3A_454 = arith.cmpi eq, %iota3A, %eq3A_453 : vector<16xi32>
    %jit3A_455 = arith.constant 85 : i32
    %broadcast_in_dim3A_456 = vector.broadcast %jit3A_455 : i32 to vector<16xi32>
    %select_n3A_457 = arith.select %eq3A_454, %broadcast_in_dim3A_456, %select_n3A_451 : vector<16xi1>, vector<16xi32>
    %eq3A_458 = arith.constant 10 : i32
    %eq3A_459 = vector.broadcast %eq3A_458 : i32 to vector<16xi32>
    %eq3A_460 = arith.cmpi eq, %iota3A, %eq3A_459 : vector<16xi32>
    %jit3A_461 = arith.constant 79 : i32
    %broadcast_in_dim3A_462 = vector.broadcast %jit3A_461 : i32 to vector<16xi32>
    %select_n3A_463 = arith.select %eq3A_460, %broadcast_in_dim3A_462, %select_n3A_457 : vector<16xi1>, vector<16xi32>
    %eq3A_464 = arith.constant 11 : i32
    %eq3A_465 = vector.broadcast %eq3A_464 : i32 to vector<16xi32>
    %eq3A_466 = arith.cmpi eq, %iota3A, %eq3A_465 : vector<16xi32>
    %jit3A_467 = arith.constant 120 : i32
    %broadcast_in_dim3A_468 = vector.broadcast %jit3A_467 : i32 to vector<16xi32>
    %select_n3A_469 = arith.select %eq3A_466, %broadcast_in_dim3A_468, %select_n3A_463 : vector<16xi1>, vector<16xi32>
    %eq3A_470 = arith.constant 12 : i32
    %eq3A_471 = vector.broadcast %eq3A_470 : i32 to vector<16xi32>
    %eq3A_472 = arith.cmpi eq, %iota3A, %eq3A_471 : vector<16xi32>
    %jit3A_473 = arith.constant 91 : i32
    %broadcast_in_dim3A_474 = vector.broadcast %jit3A_473 : i32 to vector<16xi32>
    %select_n3A_475 = arith.select %eq3A_472, %broadcast_in_dim3A_474, %select_n3A_469 : vector<16xi1>, vector<16xi32>
    %eq3A_476 = arith.constant 13 : i32
    %eq3A_477 = vector.broadcast %eq3A_476 : i32 to vector<16xi32>
    %eq3A_478 = arith.cmpi eq, %iota3A, %eq3A_477 : vector<16xi32>
    %jit3A_479 = arith.constant 41 : i32
    %broadcast_in_dim3A_480 = vector.broadcast %jit3A_479 : i32 to vector<16xi32>
    %select_n3A_481 = arith.select %eq3A_478, %broadcast_in_dim3A_480, %select_n3A_475 : vector<16xi1>, vector<16xi32>
    %eq3A_482 = arith.constant 14 : i32
    %eq3A_483 = vector.broadcast %eq3A_482 : i32 to vector<16xi32>
    %eq3A_484 = arith.cmpi eq, %iota3A, %eq3A_483 : vector<16xi32>
    %jit3A_485 = arith.constant 115 : i32
    %broadcast_in_dim3A_486 = vector.broadcast %jit3A_485 : i32 to vector<16xi32>
    %select_n3A_487 = arith.select %eq3A_484, %broadcast_in_dim3A_486, %select_n3A_481 : vector<16xi1>, vector<16xi32>
    %eq3A_488 = arith.constant 15 : i32
    %eq3A_489 = vector.broadcast %eq3A_488 : i32 to vector<16xi32>
    %eq3A_490 = arith.cmpi eq, %iota3A, %eq3A_489 : vector<16xi32>
    %jit3A_491 = arith.constant 6 : i32
    %broadcast_in_dim3A_492 = vector.broadcast %jit3A_491 : i32 to vector<16xi32>
    %select_n3A_493 = arith.select %eq3A_490, %broadcast_in_dim3A_492, %select_n3A_487 : vector<16xi1>, vector<16xi32>
    %mul3A_494 = arith.constant 0 : i32
    %mul3A_495 = vector.broadcast %mul3A_494 : i32 to vector<16xi32>
    %mul3A_496 = arith.muli %iota3A, %mul3A_495 : vector<16xi32>
    %eq3A_497 = arith.constant 0 : i32
    %eq3A_498 = vector.broadcast %eq3A_497 : i32 to vector<16xi32>
    %eq3A_499 = arith.cmpi eq, %iota3A, %eq3A_498 : vector<16xi32>
    %jit3A_500 = arith.constant 59 : i32
    %broadcast_in_dim3A_501 = vector.broadcast %jit3A_500 : i32 to vector<16xi32>
    %select_n3A_502 = arith.select %eq3A_499, %broadcast_in_dim3A_501, %mul3A_496 : vector<16xi1>, vector<16xi32>
    %eq3A_503 = arith.constant 1 : i32
    %eq3A_504 = vector.broadcast %eq3A_503 : i32 to vector<16xi32>
    %eq3A_505 = arith.cmpi eq, %iota3A, %eq3A_504 : vector<16xi32>
    %jit3A_506 = arith.constant 2 : i32
    %broadcast_in_dim3A_507 = vector.broadcast %jit3A_506 : i32 to vector<16xi32>
    %select_n3A_508 = arith.select %eq3A_505, %broadcast_in_dim3A_507, %select_n3A_502 : vector<16xi1>, vector<16xi32>
    %eq3A_509 = arith.constant 2 : i32
    %eq3A_510 = vector.broadcast %eq3A_509 : i32 to vector<16xi32>
    %eq3A_511 = arith.cmpi eq, %iota3A, %eq3A_510 : vector<16xi32>
    %jit3A_512 = arith.constant 57 : i32
    %broadcast_in_dim3A_513 = vector.broadcast %jit3A_512 : i32 to vector<16xi32>
    %select_n3A_514 = arith.select %eq3A_511, %broadcast_in_dim3A_513, %select_n3A_508 : vector<16xi1>, vector<16xi32>
    %eq3A_515 = arith.constant 3 : i32
    %eq3A_516 = vector.broadcast %eq3A_515 : i32 to vector<16xi32>
    %eq3A_517 = arith.cmpi eq, %iota3A, %eq3A_516 : vector<16xi32>
    %jit3A_518 = arith.constant 35 : i32
    %broadcast_in_dim3A_519 = vector.broadcast %jit3A_518 : i32 to vector<16xi32>
    %select_n3A_520 = arith.select %eq3A_517, %broadcast_in_dim3A_519, %select_n3A_514 : vector<16xi1>, vector<16xi32>
    %eq3A_521 = arith.constant 4 : i32
    %eq3A_522 = vector.broadcast %eq3A_521 : i32 to vector<16xi32>
    %eq3A_523 = arith.cmpi eq, %iota3A, %eq3A_522 : vector<16xi32>
    %jit3A_524 = arith.constant 99 : i32
    %broadcast_in_dim3A_525 = vector.broadcast %jit3A_524 : i32 to vector<16xi32>
    %select_n3A_526 = arith.select %eq3A_523, %broadcast_in_dim3A_525, %select_n3A_520 : vector<16xi1>, vector<16xi32>
    %eq3A_527 = arith.constant 5 : i32
    %eq3A_528 = vector.broadcast %eq3A_527 : i32 to vector<16xi32>
    %eq3A_529 = arith.cmpi eq, %iota3A, %eq3A_528 : vector<16xi32>
    %jit3A_530 = arith.constant 19 : i32
    %broadcast_in_dim3A_531 = vector.broadcast %jit3A_530 : i32 to vector<16xi32>
    %select_n3A_532 = arith.select %eq3A_529, %broadcast_in_dim3A_531, %select_n3A_526 : vector<16xi1>, vector<16xi32>
    %eq3A_533 = arith.constant 6 : i32
    %eq3A_534 = vector.broadcast %eq3A_533 : i32 to vector<16xi32>
    %eq3A_535 = arith.cmpi eq, %iota3A, %eq3A_534 : vector<16xi32>
    %jit3A_536 = arith.constant 40 : i32
    %broadcast_in_dim3A_537 = vector.broadcast %jit3A_536 : i32 to vector<16xi32>
    %select_n3A_538 = arith.select %eq3A_535, %broadcast_in_dim3A_537, %select_n3A_532 : vector<16xi1>, vector<16xi32>
    %eq3A_539 = arith.constant 7 : i32
    %eq3A_540 = vector.broadcast %eq3A_539 : i32 to vector<16xi32>
    %eq3A_541 = arith.cmpi eq, %iota3A, %eq3A_540 : vector<16xi32>
    %jit3A_542 = arith.constant 72 : i32
    %broadcast_in_dim3A_543 = vector.broadcast %jit3A_542 : i32 to vector<16xi32>
    %select_n3A_544 = arith.select %eq3A_541, %broadcast_in_dim3A_543, %select_n3A_538 : vector<16xi1>, vector<16xi32>
    %eq3A_545 = arith.constant 8 : i32
    %eq3A_546 = vector.broadcast %eq3A_545 : i32 to vector<16xi32>
    %eq3A_547 = arith.cmpi eq, %iota3A, %eq3A_546 : vector<16xi32>
    %jit3A_548 = arith.constant 118 : i32
    %broadcast_in_dim3A_549 = vector.broadcast %jit3A_548 : i32 to vector<16xi32>
    %select_n3A_550 = arith.select %eq3A_547, %broadcast_in_dim3A_549, %select_n3A_544 : vector<16xi1>, vector<16xi32>
    %eq3A_551 = arith.constant 9 : i32
    %eq3A_552 = vector.broadcast %eq3A_551 : i32 to vector<16xi32>
    %eq3A_553 = arith.cmpi eq, %iota3A, %eq3A_552 : vector<16xi32>
    %jit3A_554 = arith.constant 54 : i32
    %broadcast_in_dim3A_555 = vector.broadcast %jit3A_554 : i32 to vector<16xi32>
    %select_n3A_556 = arith.select %eq3A_553, %broadcast_in_dim3A_555, %select_n3A_550 : vector<16xi1>, vector<16xi32>
    %eq3A_557 = arith.constant 10 : i32
    %eq3A_558 = vector.broadcast %eq3A_557 : i32 to vector<16xi32>
    %eq3A_559 = arith.cmpi eq, %iota3A, %eq3A_558 : vector<16xi32>
    %jit3A_560 = arith.constant 80 : i32
    %broadcast_in_dim3A_561 = vector.broadcast %jit3A_560 : i32 to vector<16xi32>
    %select_n3A_562 = arith.select %eq3A_559, %broadcast_in_dim3A_561, %select_n3A_556 : vector<16xi1>, vector<16xi32>
    %eq3A_563 = arith.constant 11 : i32
    %eq3A_564 = vector.broadcast %eq3A_563 : i32 to vector<16xi32>
    %eq3A_565 = arith.cmpi eq, %iota3A, %eq3A_564 : vector<16xi32>
    %jit3A_566 = arith.constant 31 : i32
    %broadcast_in_dim3A_567 = vector.broadcast %jit3A_566 : i32 to vector<16xi32>
    %select_n3A_568 = arith.select %eq3A_565, %broadcast_in_dim3A_567, %select_n3A_562 : vector<16xi1>, vector<16xi32>
    %eq3A_569 = arith.constant 12 : i32
    %eq3A_570 = vector.broadcast %eq3A_569 : i32 to vector<16xi32>
    %eq3A_571 = arith.cmpi eq, %iota3A, %eq3A_570 : vector<16xi32>
    %jit3A_572 = arith.constant 126 : i32
    %broadcast_in_dim3A_573 = vector.broadcast %jit3A_572 : i32 to vector<16xi32>
    %select_n3A_574 = arith.select %eq3A_571, %broadcast_in_dim3A_573, %select_n3A_568 : vector<16xi1>, vector<16xi32>
    %eq3A_575 = arith.constant 13 : i32
    %eq3A_576 = vector.broadcast %eq3A_575 : i32 to vector<16xi32>
    %eq3A_577 = arith.cmpi eq, %iota3A, %eq3A_576 : vector<16xi32>
    %jit3A_578 = arith.constant 26 : i32
    %broadcast_in_dim3A_579 = vector.broadcast %jit3A_578 : i32 to vector<16xi32>
    %select_n3A_580 = arith.select %eq3A_577, %broadcast_in_dim3A_579, %select_n3A_574 : vector<16xi1>, vector<16xi32>
    %eq3A_581 = arith.constant 14 : i32
    %eq3A_582 = vector.broadcast %eq3A_581 : i32 to vector<16xi32>
    %eq3A_583 = arith.cmpi eq, %iota3A, %eq3A_582 : vector<16xi32>
    %jit3A_584 = arith.constant 97 : i32
    %broadcast_in_dim3A_585 = vector.broadcast %jit3A_584 : i32 to vector<16xi32>
    %select_n3A_586 = arith.select %eq3A_583, %broadcast_in_dim3A_585, %select_n3A_580 : vector<16xi1>, vector<16xi32>
    %eq3A_587 = arith.constant 15 : i32
    %eq3A_588 = vector.broadcast %eq3A_587 : i32 to vector<16xi32>
    %eq3A_589 = arith.cmpi eq, %iota3A, %eq3A_588 : vector<16xi32>
    %jit3A_590 = arith.constant 36 : i32
    %broadcast_in_dim3A_591 = vector.broadcast %jit3A_590 : i32 to vector<16xi32>
    %select_n3A_592 = arith.select %eq3A_589, %broadcast_in_dim3A_591, %select_n3A_586 : vector<16xi1>, vector<16xi32>
    %mul3A_593 = arith.constant 0 : i32
    %mul3A_594 = vector.broadcast %mul3A_593 : i32 to vector<16xi32>
    %mul3A_595 = arith.muli %iota3A, %mul3A_594 : vector<16xi32>
    %eq3A_596 = arith.constant 0 : i32
    %eq3A_597 = vector.broadcast %eq3A_596 : i32 to vector<16xi32>
    %eq3A_598 = arith.cmpi eq, %iota3A, %eq3A_597 : vector<16xi32>
    %jit3A_599 = arith.constant 38 : i32
    %broadcast_in_dim3A_600 = vector.broadcast %jit3A_599 : i32 to vector<16xi32>
    %select_n3A_601 = arith.select %eq3A_598, %broadcast_in_dim3A_600, %mul3A_595 : vector<16xi1>, vector<16xi32>
    %eq3A_602 = arith.constant 1 : i32
    %eq3A_603 = vector.broadcast %eq3A_602 : i32 to vector<16xi32>
    %eq3A_604 = arith.cmpi eq, %iota3A, %eq3A_603 : vector<16xi32>
    %jit3A_605 = arith.constant 25 : i32
    %broadcast_in_dim3A_606 = vector.broadcast %jit3A_605 : i32 to vector<16xi32>
    %select_n3A_607 = arith.select %eq3A_604, %broadcast_in_dim3A_606, %select_n3A_601 : vector<16xi1>, vector<16xi32>
    %eq3A_608 = arith.constant 2 : i32
    %eq3A_609 = vector.broadcast %eq3A_608 : i32 to vector<16xi32>
    %eq3A_610 = arith.cmpi eq, %iota3A, %eq3A_609 : vector<16xi32>
    %jit3A_611 = arith.constant 47 : i32
    %broadcast_in_dim3A_612 = vector.broadcast %jit3A_611 : i32 to vector<16xi32>
    %select_n3A_613 = arith.select %eq3A_610, %broadcast_in_dim3A_612, %select_n3A_607 : vector<16xi1>, vector<16xi32>
    %eq3A_614 = arith.constant 3 : i32
    %eq3A_615 = vector.broadcast %eq3A_614 : i32 to vector<16xi32>
    %eq3A_616 = arith.cmpi eq, %iota3A, %eq3A_615 : vector<16xi32>
    %jit3A_617 = arith.constant 61 : i32
    %broadcast_in_dim3A_618 = vector.broadcast %jit3A_617 : i32 to vector<16xi32>
    %select_n3A_619 = arith.select %eq3A_616, %broadcast_in_dim3A_618, %select_n3A_613 : vector<16xi1>, vector<16xi32>
    %eq3A_620 = arith.constant 4 : i32
    %eq3A_621 = vector.broadcast %eq3A_620 : i32 to vector<16xi32>
    %eq3A_622 = arith.cmpi eq, %iota3A, %eq3A_621 : vector<16xi32>
    %jit3A_623 = arith.constant 96 : i32
    %broadcast_in_dim3A_624 = vector.broadcast %jit3A_623 : i32 to vector<16xi32>
    %select_n3A_625 = arith.select %eq3A_622, %broadcast_in_dim3A_624, %select_n3A_619 : vector<16xi1>, vector<16xi32>
    %eq3A_626 = arith.constant 5 : i32
    %eq3A_627 = vector.broadcast %eq3A_626 : i32 to vector<16xi32>
    %eq3A_628 = arith.cmpi eq, %iota3A, %eq3A_627 : vector<16xi32>
    %jit3A_629 = arith.constant 15 : i32
    %broadcast_in_dim3A_630 = vector.broadcast %jit3A_629 : i32 to vector<16xi32>
    %select_n3A_631 = arith.select %eq3A_628, %broadcast_in_dim3A_630, %select_n3A_625 : vector<16xi1>, vector<16xi32>
    %eq3A_632 = arith.constant 6 : i32
    %eq3A_633 = vector.broadcast %eq3A_632 : i32 to vector<16xi32>
    %eq3A_634 = arith.cmpi eq, %iota3A, %eq3A_633 : vector<16xi32>
    %jit3A_635 = arith.constant 28 : i32
    %broadcast_in_dim3A_636 = vector.broadcast %jit3A_635 : i32 to vector<16xi32>
    %select_n3A_637 = arith.select %eq3A_634, %broadcast_in_dim3A_636, %select_n3A_631 : vector<16xi1>, vector<16xi32>
    %eq3A_638 = arith.constant 7 : i32
    %eq3A_639 = vector.broadcast %eq3A_638 : i32 to vector<16xi32>
    %eq3A_640 = arith.cmpi eq, %iota3A, %eq3A_639 : vector<16xi32>
    %jit3A_641 = arith.constant 68 : i32
    %broadcast_in_dim3A_642 = vector.broadcast %jit3A_641 : i32 to vector<16xi32>
    %select_n3A_643 = arith.select %eq3A_640, %broadcast_in_dim3A_642, %select_n3A_637 : vector<16xi1>, vector<16xi32>
    %eq3A_644 = arith.constant 8 : i32
    %eq3A_645 = vector.broadcast %eq3A_644 : i32 to vector<16xi32>
    %eq3A_646 = arith.cmpi eq, %iota3A, %eq3A_645 : vector<16xi32>
    %jit3A_647 = arith.constant 60 : i32
    %broadcast_in_dim3A_648 = vector.broadcast %jit3A_647 : i32 to vector<16xi32>
    %select_n3A_649 = arith.select %eq3A_646, %broadcast_in_dim3A_648, %select_n3A_643 : vector<16xi1>, vector<16xi32>
    %eq3A_650 = arith.constant 9 : i32
    %eq3A_651 = vector.broadcast %eq3A_650 : i32 to vector<16xi32>
    %eq3A_652 = arith.cmpi eq, %iota3A, %eq3A_651 : vector<16xi32>
    %jit3A_653 = arith.constant 82 : i32
    %broadcast_in_dim3A_654 = vector.broadcast %jit3A_653 : i32 to vector<16xi32>
    %select_n3A_655 = arith.select %eq3A_652, %broadcast_in_dim3A_654, %select_n3A_649 : vector<16xi1>, vector<16xi32>
    %eq3A_656 = arith.constant 10 : i32
    %eq3A_657 = vector.broadcast %eq3A_656 : i32 to vector<16xi32>
    %eq3A_658 = arith.cmpi eq, %iota3A, %eq3A_657 : vector<16xi32>
    %jit3A_659 = arith.constant 112 : i32
    %broadcast_in_dim3A_660 = vector.broadcast %jit3A_659 : i32 to vector<16xi32>
    %select_n3A_661 = arith.select %eq3A_658, %broadcast_in_dim3A_660, %select_n3A_655 : vector<16xi1>, vector<16xi32>
    %eq3A_662 = arith.constant 11 : i32
    %eq3A_663 = vector.broadcast %eq3A_662 : i32 to vector<16xi32>
    %eq3A_664 = arith.cmpi eq, %iota3A, %eq3A_663 : vector<16xi32>
    %jit3A_665 = arith.constant 55 : i32
    %broadcast_in_dim3A_666 = vector.broadcast %jit3A_665 : i32 to vector<16xi32>
    %select_n3A_667 = arith.select %eq3A_664, %broadcast_in_dim3A_666, %select_n3A_661 : vector<16xi1>, vector<16xi32>
    %eq3A_668 = arith.constant 12 : i32
    %eq3A_669 = vector.broadcast %eq3A_668 : i32 to vector<16xi32>
    %eq3A_670 = arith.cmpi eq, %iota3A, %eq3A_669 : vector<16xi32>
    %jit3A_671 = arith.constant 44 : i32
    %broadcast_in_dim3A_672 = vector.broadcast %jit3A_671 : i32 to vector<16xi32>
    %select_n3A_673 = arith.select %eq3A_670, %broadcast_in_dim3A_672, %select_n3A_667 : vector<16xi1>, vector<16xi32>
    %eq3A_674 = arith.constant 13 : i32
    %eq3A_675 = vector.broadcast %eq3A_674 : i32 to vector<16xi32>
    %eq3A_676 = arith.cmpi eq, %iota3A, %eq3A_675 : vector<16xi32>
    %jit3A_677 = arith.constant 119 : i32
    %broadcast_in_dim3A_678 = vector.broadcast %jit3A_677 : i32 to vector<16xi32>
    %select_n3A_679 = arith.select %eq3A_676, %broadcast_in_dim3A_678, %select_n3A_673 : vector<16xi1>, vector<16xi32>
    %eq3A_680 = arith.constant 14 : i32
    %eq3A_681 = vector.broadcast %eq3A_680 : i32 to vector<16xi32>
    %eq3A_682 = arith.cmpi eq, %iota3A, %eq3A_681 : vector<16xi32>
    %jit3A_683 = arith.constant 11 : i32
    %broadcast_in_dim3A_684 = vector.broadcast %jit3A_683 : i32 to vector<16xi32>
    %select_n3A_685 = arith.select %eq3A_682, %broadcast_in_dim3A_684, %select_n3A_679 : vector<16xi1>, vector<16xi32>
    %eq3A_686 = arith.constant 15 : i32
    %eq3A_687 = vector.broadcast %eq3A_686 : i32 to vector<16xi32>
    %eq3A_688 = arith.cmpi eq, %iota3A, %eq3A_687 : vector<16xi32>
    %jit3A_689 = arith.constant 114 : i32
    %broadcast_in_dim3A_690 = vector.broadcast %jit3A_689 : i32 to vector<16xi32>
    %select_n3A_691 = arith.select %eq3A_688, %broadcast_in_dim3A_690, %select_n3A_685 : vector<16xi1>, vector<16xi32>
    %mul3A_692 = arith.constant 0 : i32
    %mul3A_693 = vector.broadcast %mul3A_692 : i32 to vector<16xi32>
    %mul3A_694 = arith.muli %iota3A, %mul3A_693 : vector<16xi32>
    %eq3A_695 = arith.constant 0 : i32
    %eq3A_696 = vector.broadcast %eq3A_695 : i32 to vector<16xi32>
    %eq3A_697 = arith.cmpi eq, %iota3A, %eq3A_696 : vector<16xi32>
    %jit3A_698 = arith.constant 10 : i32
    %broadcast_in_dim3A_699 = vector.broadcast %jit3A_698 : i32 to vector<16xi32>
    %select_n3A_700 = arith.select %eq3A_697, %broadcast_in_dim3A_699, %mul3A_694 : vector<16xi1>, vector<16xi32>
    %eq3A_701 = arith.constant 1 : i32
    %eq3A_702 = vector.broadcast %eq3A_701 : i32 to vector<16xi32>
    %eq3A_703 = arith.cmpi eq, %iota3A, %eq3A_702 : vector<16xi32>
    %jit3A_704 = arith.constant 122 : i32
    %broadcast_in_dim3A_705 = vector.broadcast %jit3A_704 : i32 to vector<16xi32>
    %select_n3A_706 = arith.select %eq3A_703, %broadcast_in_dim3A_705, %select_n3A_700 : vector<16xi1>, vector<16xi32>
    %eq3A_707 = arith.constant 2 : i32
    %eq3A_708 = vector.broadcast %eq3A_707 : i32 to vector<16xi32>
    %eq3A_709 = arith.cmpi eq, %iota3A, %eq3A_708 : vector<16xi32>
    %jit3A_710 = arith.constant 76 : i32
    %broadcast_in_dim3A_711 = vector.broadcast %jit3A_710 : i32 to vector<16xi32>
    %select_n3A_712 = arith.select %eq3A_709, %broadcast_in_dim3A_711, %select_n3A_706 : vector<16xi1>, vector<16xi32>
    %eq3A_713 = arith.constant 3 : i32
    %eq3A_714 = vector.broadcast %eq3A_713 : i32 to vector<16xi32>
    %eq3A_715 = arith.cmpi eq, %iota3A, %eq3A_714 : vector<16xi32>
    %jit3A_716 = arith.constant 93 : i32
    %broadcast_in_dim3A_717 = vector.broadcast %jit3A_716 : i32 to vector<16xi32>
    %select_n3A_718 = arith.select %eq3A_715, %broadcast_in_dim3A_717, %select_n3A_712 : vector<16xi1>, vector<16xi32>
    %eq3A_719 = arith.constant 4 : i32
    %eq3A_720 = vector.broadcast %eq3A_719 : i32 to vector<16xi32>
    %eq3A_721 = arith.cmpi eq, %iota3A, %eq3A_720 : vector<16xi32>
    %jit3A_722 = arith.constant 84 : i32
    %broadcast_in_dim3A_723 = vector.broadcast %jit3A_722 : i32 to vector<16xi32>
    %select_n3A_724 = arith.select %eq3A_721, %broadcast_in_dim3A_723, %select_n3A_718 : vector<16xi1>, vector<16xi32>
    %eq3A_725 = arith.constant 5 : i32
    %eq3A_726 = vector.broadcast %eq3A_725 : i32 to vector<16xi32>
    %eq3A_727 = arith.cmpi eq, %iota3A, %eq3A_726 : vector<16xi32>
    %jit3A_728 = arith.constant 87 : i32
    %broadcast_in_dim3A_729 = vector.broadcast %jit3A_728 : i32 to vector<16xi32>
    %select_n3A_730 = arith.select %eq3A_727, %broadcast_in_dim3A_729, %select_n3A_724 : vector<16xi1>, vector<16xi32>
    %eq3A_731 = arith.constant 6 : i32
    %eq3A_732 = vector.broadcast %eq3A_731 : i32 to vector<16xi32>
    %eq3A_733 = arith.cmpi eq, %iota3A, %eq3A_732 : vector<16xi32>
    %jit3A_734 = arith.constant 16 : i32
    %broadcast_in_dim3A_735 = vector.broadcast %jit3A_734 : i32 to vector<16xi32>
    %select_n3A_736 = arith.select %eq3A_733, %broadcast_in_dim3A_735, %select_n3A_730 : vector<16xi1>, vector<16xi32>
    %eq3A_737 = arith.constant 7 : i32
    %eq3A_738 = vector.broadcast %eq3A_737 : i32 to vector<16xi32>
    %eq3A_739 = arith.cmpi eq, %iota3A, %eq3A_738 : vector<16xi32>
    %jit3A_740 = arith.constant 12 : i32
    %broadcast_in_dim3A_741 = vector.broadcast %jit3A_740 : i32 to vector<16xi32>
    %select_n3A_742 = arith.select %eq3A_739, %broadcast_in_dim3A_741, %select_n3A_736 : vector<16xi1>, vector<16xi32>
    %eq3A_743 = arith.constant 8 : i32
    %eq3A_744 = vector.broadcast %eq3A_743 : i32 to vector<16xi32>
    %eq3A_745 = arith.cmpi eq, %iota3A, %eq3A_744 : vector<16xi32>
    %jit3A_746 = arith.constant 88 : i32
    %broadcast_in_dim3A_747 = vector.broadcast %jit3A_746 : i32 to vector<16xi32>
    %select_n3A_748 = arith.select %eq3A_745, %broadcast_in_dim3A_747, %select_n3A_742 : vector<16xi1>, vector<16xi32>
    %eq3A_749 = arith.constant 9 : i32
    %eq3A_750 = vector.broadcast %eq3A_749 : i32 to vector<16xi32>
    %eq3A_751 = arith.cmpi eq, %iota3A, %eq3A_750 : vector<16xi32>
    %jit3A_752 = arith.constant 23 : i32
    %broadcast_in_dim3A_753 = vector.broadcast %jit3A_752 : i32 to vector<16xi32>
    %select_n3A_754 = arith.select %eq3A_751, %broadcast_in_dim3A_753, %select_n3A_748 : vector<16xi1>, vector<16xi32>
    %eq3A_755 = arith.constant 10 : i32
    %eq3A_756 = vector.broadcast %eq3A_755 : i32 to vector<16xi32>
    %eq3A_757 = arith.cmpi eq, %iota3A, %eq3A_756 : vector<16xi32>
    %jit3A_758 = arith.constant 29 : i32
    %broadcast_in_dim3A_759 = vector.broadcast %jit3A_758 : i32 to vector<16xi32>
    %select_n3A_760 = arith.select %eq3A_757, %broadcast_in_dim3A_759, %select_n3A_754 : vector<16xi1>, vector<16xi32>
    %eq3A_761 = arith.constant 11 : i32
    %eq3A_762 = vector.broadcast %eq3A_761 : i32 to vector<16xi32>
    %eq3A_763 = arith.cmpi eq, %iota3A, %eq3A_762 : vector<16xi32>
    %jit3A_764 = arith.constant 24 : i32
    %broadcast_in_dim3A_765 = vector.broadcast %jit3A_764 : i32 to vector<16xi32>
    %select_n3A_766 = arith.select %eq3A_763, %broadcast_in_dim3A_765, %select_n3A_760 : vector<16xi1>, vector<16xi32>
    %eq3A_767 = arith.constant 12 : i32
    %eq3A_768 = vector.broadcast %eq3A_767 : i32 to vector<16xi32>
    %eq3A_769 = arith.cmpi eq, %iota3A, %eq3A_768 : vector<16xi32>
    %jit3A_770 = arith.constant 7 : i32
    %broadcast_in_dim3A_771 = vector.broadcast %jit3A_770 : i32 to vector<16xi32>
    %select_n3A_772 = arith.select %eq3A_769, %broadcast_in_dim3A_771, %select_n3A_766 : vector<16xi1>, vector<16xi32>
    %eq3A_773 = arith.constant 13 : i32
    %eq3A_774 = vector.broadcast %eq3A_773 : i32 to vector<16xi32>
    %eq3A_775 = arith.cmpi eq, %iota3A, %eq3A_774 : vector<16xi32>
    %jit3A_776 = arith.constant 113 : i32
    %broadcast_in_dim3A_777 = vector.broadcast %jit3A_776 : i32 to vector<16xi32>
    %select_n3A_778 = arith.select %eq3A_775, %broadcast_in_dim3A_777, %select_n3A_772 : vector<16xi1>, vector<16xi32>
    %eq3A_779 = arith.constant 14 : i32
    %eq3A_780 = vector.broadcast %eq3A_779 : i32 to vector<16xi32>
    %eq3A_781 = arith.cmpi eq, %iota3A, %eq3A_780 : vector<16xi32>
    %jit3A_782 = arith.constant 111 : i32
    %broadcast_in_dim3A_783 = vector.broadcast %jit3A_782 : i32 to vector<16xi32>
    %select_n3A_784 = arith.select %eq3A_781, %broadcast_in_dim3A_783, %select_n3A_778 : vector<16xi1>, vector<16xi32>
    %eq3A_785 = arith.constant 15 : i32
    %eq3A_786 = vector.broadcast %eq3A_785 : i32 to vector<16xi32>
    %eq3A_787 = arith.cmpi eq, %iota3A, %eq3A_786 : vector<16xi32>
    %jit3A_788 = arith.constant 20 : i32
    %broadcast_in_dim3A_789 = vector.broadcast %jit3A_788 : i32 to vector<16xi32>
    %select_n3A_790 = arith.select %eq3A_787, %broadcast_in_dim3A_789, %select_n3A_784 : vector<16xi1>, vector<16xi32>
    %add3A_791 = arith.constant 0 : i32
    %add3A_792 = arith.addi %mul3A_2, %add3A_791 : i32
    %dma_start3A = arith.constant 0 : i32
    %dma_start3A_793 = tpu.memref_slice %arg2[%add3A_792, %dma_start3A] : memref<150528x128xf32, #tpu.memory_space<hbm>> -> memref<168x128xf32, #tpu.memory_space<hbm>>
    %dma_start3A_794 = arith.constant 0 : i32
    %dma_start3A_795 = tpu.memref_slice %arg2[%add3A_792, %dma_start3A_794] : memref<150528x128xf32, #tpu.memory_space<hbm>> -> memref<168x128xf32, #tpu.memory_space<hbm>>
    tpu.enqueue_dma source(%dma_start3A_795 : memref<168x128xf32, #tpu.memory_space<hbm>>) target(%arg4 : memref<168x128xf32, #tpu.memory_space<vmem>>) target_semaphore(%arg8 : memref<!tpu.dma_semaphore, #tpu.memory_space<semaphore_mem>>)
    %add3A_796 = arith.constant 168 : i32
    %add3A_797 = arith.addi %mul3A_2, %add3A_796 : i32
    %dma_start3A_798 = arith.constant 0 : i32
    %dma_start3A_799 = tpu.memref_slice %arg2[%add3A_797, %dma_start3A_798] : memref<150528x128xf32, #tpu.memory_space<hbm>> -> memref<168x128xf32, #tpu.memory_space<hbm>>
    %dma_start3A_800 = arith.constant 0 : i32
    %dma_start3A_801 = tpu.memref_slice %arg2[%add3A_797, %dma_start3A_800] : memref<150528x128xf32, #tpu.memory_space<hbm>> -> memref<168x128xf32, #tpu.memory_space<hbm>>
    tpu.enqueue_dma source(%dma_start3A_801 : memref<168x128xf32, #tpu.memory_space<hbm>>) target(%arg5 : memref<168x128xf32, #tpu.memory_space<vmem>>) target_semaphore(%arg9 : memref<!tpu.dma_semaphore, #tpu.memory_space<semaphore_mem>>)
    %scan3A = arith.constant 0 : i32
    %scan3A_802 = arith.constant 0 : i32
    %scan3A_803 = arith.constant 14 : i32
    %scan3A_804 = arith.addi %scan3A_802, %scan3A_803 : i32
    %scan3A_805 = arith.constant 1 : i32
    scf.for %scan3A_818 = %scan3A_802 to %scan3A_804 step %scan3A_805  : i32 {
      %mul3A_819 = arith.constant 2 : i32
      %mul3A_820 = arith.muli %scan3A_818, %mul3A_819 : i32
      %add3A_821 = arith.constant 0 : i32
      %add3A_822 = arith.addi %mul3A_820, %add3A_821 : i32
      %mul3A_823 = arith.constant 168 : i32
      %mul3A_824 = arith.muli %mul3A_823, %add3A_822 : i32
      %add3A_825 = arith.addi %mul3A_2, %mul3A_824 : i32
      %dma_wait3A_826 = arith.constant 0 : i32
      %dma_wait3A_827 = tpu.memref_slice %arg2[%add3A_825, %dma_wait3A_826] : memref<150528x128xf32, #tpu.memory_space<hbm>> -> memref<168x128xf32, #tpu.memory_space<hbm>>
      %dma_wait3A_828 = arith.constant 0 : i32
      %dma_wait3A_829 = tpu.memref_slice %arg2[%add3A_825, %dma_wait3A_828] : memref<150528x128xf32, #tpu.memory_space<hbm>> -> memref<168x128xf32, #tpu.memory_space<hbm>>
      tpu.wait_dma2 semaphore(%arg8 : memref<!tpu.dma_semaphore, #tpu.memory_space<semaphore_mem>>) src(%dma_wait3A_829 : memref<168x128xf32, #tpu.memory_space<hbm>>) dst(%arg4 : memref<168x128xf32, #tpu.memory_space<vmem>>)
      %ge3A = arith.constant 2 : i32
      %ge3A_830 = arith.cmpi sge, %add3A_822, %ge3A : i32
      %convert_element_type3A = arith.extui %ge3A_830 : i1 to i32
      %cond3A = arith.constant 0 : i32
      %cond3A_831 = arith.cmpi ne, %convert_element_type3A, %cond3A : i32
      scf.if %cond3A_831 {
        %sub3A = arith.constant 2 : i32
        %sub3A_876 = arith.subi %add3A_822, %sub3A : i32
        %mul3A_877 = arith.constant 168 : i32
        %mul3A_878 = arith.muli %mul3A_877, %sub3A_876 : i32
        %add3A_879 = arith.addi %mul3A_2, %mul3A_878 : i32
        %dma_wait3A_880 = arith.constant 0 : i32
        %dma_wait3A_881 = tpu.memref_slice %arg3[%add3A_879, %dma_wait3A_880] : memref<150528x128xf32, #tpu.memory_space<hbm>> -> memref<168x128xf32, #tpu.memory_space<hbm>>
        %dma_wait3A_882 = arith.constant 0 : i32
        %dma_wait3A_883 = tpu.memref_slice %arg3[%add3A_879, %dma_wait3A_882] : memref<150528x128xf32, #tpu.memory_space<hbm>> -> memref<168x128xf32, #tpu.memory_space<hbm>>
        tpu.wait_dma2 semaphore(%arg10 : memref<!tpu.dma_semaphore, #tpu.memory_space<semaphore_mem>>) src(%arg6 : memref<168x128xf32, #tpu.memory_space<vmem>>) dst(%dma_wait3A_883 : memref<168x128xf32, #tpu.memory_space<hbm>>)
      } else {
      }
      %parallel_loop3A = arith.constant 0 : i32
      %parallel_loop3A_832 = arith.constant 168 : i32
      %parallel_loop3A_833 = arith.constant 1 : i32
      scf.for %parallel_loop3A_876 = %parallel_loop3A to %parallel_loop3A_832 step %parallel_loop3A_833  : i32 {
        %parallel_loop3A_877 = vector.broadcast %parallel_loop3A_876 : i32 to vector<16xi32>
        %parallel_loop3A_878 = arith.index_cast %parallel_loop3A_876 : i32 to index
        %parallel_loop3A_879 = arith.constant 0 : index
        %parallel_loop3A_880 = tpu.vector_load %arg4[%parallel_loop3A_878, %parallel_loop3A_879] {strides = array<i32>} : memref<168x128xf32, #tpu.memory_space<vmem>>, vector<16xf32>,
        %parallel_loop3A_881 = tpu.vector_load_idx %arg4[%parallel_loop3A_877, %select_n3A_97] : memref<168x128xf32, #tpu.memory_space<vmem>>[vector<16xi32>, vector<16xi32>], vector<16xf32>,
        %parallel_loop3A_882 = arith.constant 0.899999976 : f32
        %parallel_loop3A_883 = vector.broadcast %parallel_loop3A_882 : f32 to vector<16xf32>
        %parallel_loop3A_884 = arith.mulf %parallel_loop3A_883, %parallel_loop3A_880 : vector<16xf32>
        %parallel_loop3A_885 = arith.constant 1.000000e-01 : f32
        %parallel_loop3A_886 = vector.broadcast %parallel_loop3A_885 : f32 to vector<16xf32>
        %parallel_loop3A_887 = arith.mulf %parallel_loop3A_886, %parallel_loop3A_881 : vector<16xf32>
        %parallel_loop3A_888 = arith.addf %parallel_loop3A_884, %parallel_loop3A_887 : vector<16xf32>
        %parallel_loop3A_889 = arith.index_cast %parallel_loop3A_876 : i32 to index
        %parallel_loop3A_890 = arith.constant 0 : index
        %parallel_loop3A_891 = tpu.vector_load %arg6[%parallel_loop3A_889, %parallel_loop3A_890] {strides = array<i32>} : memref<168x128xf32, #tpu.memory_space<vmem>>, vector<16xf32>,
        tpu.vector_store %arg6[%parallel_loop3A_889, %parallel_loop3A_890], %parallel_loop3A_888 {strides = array<i32>} : memref<168x128xf32, #tpu.memory_space<vmem>>, vector<16xf32>,
        %parallel_loop3A_892 = arith.index_cast %parallel_loop3A_876 : i32 to index
        %parallel_loop3A_893 = arith.constant 16 : index
        %parallel_loop3A_894 = tpu.vector_load %arg4[%parallel_loop3A_892, %parallel_loop3A_893] {strides = array<i32>} : memref<168x128xf32, #tpu.memory_space<vmem>>, vector<16xf32>,
        %parallel_loop3A_895 = tpu.vector_load_idx %arg4[%parallel_loop3A_877, %select_n3A_196] : memref<168x128xf32, #tpu.memory_space<vmem>>[vector<16xi32>, vector<16xi32>], vector<16xf32>,
        %parallel_loop3A_896 = arith.constant 0.899999976 : f32
        %parallel_loop3A_897 = vector.broadcast %parallel_loop3A_896 : f32 to vector<16xf32>
        %parallel_loop3A_898 = arith.mulf %parallel_loop3A_897, %parallel_loop3A_894 : vector<16xf32>
        %parallel_loop3A_899 = arith.constant 1.000000e-01 : f32
        %parallel_loop3A_900 = vector.broadcast %parallel_loop3A_899 : f32 to vector<16xf32>
        %parallel_loop3A_901 = arith.mulf %parallel_loop3A_900, %parallel_loop3A_895 : vector<16xf32>
        %parallel_loop3A_902 = arith.addf %parallel_loop3A_898, %parallel_loop3A_901 : vector<16xf32>
        %parallel_loop3A_903 = arith.index_cast %parallel_loop3A_876 : i32 to index
        %parallel_loop3A_904 = arith.constant 16 : index
        %parallel_loop3A_905 = tpu.vector_load %arg6[%parallel_loop3A_903, %parallel_loop3A_904] {strides = array<i32>} : memref<168x128xf32, #tpu.memory_space<vmem>>, vector<16xf32>,
        tpu.vector_store %arg6[%parallel_loop3A_903, %parallel_loop3A_904], %parallel_loop3A_902 {strides = array<i32>} : memref<168x128xf32, #tpu.memory_space<vmem>>, vector<16xf32>,
        %parallel_loop3A_906 = arith.index_cast %parallel_loop3A_876 : i32 to index
        %parallel_loop3A_907 = arith.constant 32 : index
        %parallel_loop3A_908 = tpu.vector_load %arg4[%parallel_loop3A_906, %parallel_loop3A_907] {strides = array<i32>} : memref<168x128xf32, #tpu.memory_space<vmem>>, vector<16xf32>,
        %parallel_loop3A_909 = tpu.vector_load_idx %arg4[%parallel_loop3A_877, %select_n3A_295] : memref<168x128xf32, #tpu.memory_space<vmem>>[vector<16xi32>, vector<16xi32>], vector<16xf32>,
        %parallel_loop3A_910 = arith.constant 0.899999976 : f32
        %parallel_loop3A_911 = vector.broadcast %parallel_loop3A_910 : f32 to vector<16xf32>
        %parallel_loop3A_912 = arith.mulf %parallel_loop3A_911, %parallel_loop3A_908 : vector<16xf32>
        %parallel_loop3A_913 = arith.constant 1.000000e-01 : f32
        %parallel_loop3A_914 = vector.broadcast %parallel_loop3A_913 : f32 to vector<16xf32>
        %parallel_loop3A_915 = arith.mulf %parallel_loop3A_914, %parallel_loop3A_909 : vector<16xf32>
        %parallel_loop3A_916 = arith.addf %parallel_loop3A_912, %parallel_loop3A_915 : vector<16xf32>
        %parallel_loop3A_917 = arith.index_cast %parallel_loop3A_876 : i32 to index
        %parallel_loop3A_918 = arith.constant 32 : index
        %parallel_loop3A_919 = tpu.vector_load %arg6[%parallel_loop3A_917, %parallel_loop3A_918] {strides = array<i32>} : memref<168x128xf32, #tpu.memory_space<vmem>>, vector<16xf32>,
        tpu.vector_store %arg6[%parallel_loop3A_917, %parallel_loop3A_918], %parallel_loop3A_916 {strides = array<i32>} : memref<168x128xf32, #tpu.memory_space<vmem>>, vector<16xf32>,
        %parallel_loop3A_920 = arith.index_cast %parallel_loop3A_876 : i32 to index
        %parallel_loop3A_921 = arith.constant 48 : index
        %parallel_loop3A_922 = tpu.vector_load %arg4[%parallel_loop3A_920, %parallel_loop3A_921] {strides = array<i32>} : memref<168x128xf32, #tpu.memory_space<vmem>>, vector<16xf32>,
        %parallel_loop3A_923 = tpu.vector_load_idx %arg4[%parallel_loop3A_877, %select_n3A_394] : memref<168x128xf32, #tpu.memory_space<vmem>>[vector<16xi32>, vector<16xi32>], vector<16xf32>,
        %parallel_loop3A_924 = arith.constant 0.899999976 : f32
        %parallel_loop3A_925 = vector.broadcast %parallel_loop3A_924 : f32 to vector<16xf32>
        %parallel_loop3A_926 = arith.mulf %parallel_loop3A_925, %parallel_loop3A_922 : vector<16xf32>
        %parallel_loop3A_927 = arith.constant 1.000000e-01 : f32
        %parallel_loop3A_928 = vector.broadcast %parallel_loop3A_927 : f32 to vector<16xf32>
        %parallel_loop3A_929 = arith.mulf %parallel_loop3A_928, %parallel_loop3A_923 : vector<16xf32>
        %parallel_loop3A_930 = arith.addf %parallel_loop3A_926, %parallel_loop3A_929 : vector<16xf32>
        %parallel_loop3A_931 = arith.index_cast %parallel_loop3A_876 : i32 to index
        %parallel_loop3A_932 = arith.constant 48 : index
        %parallel_loop3A_933 = tpu.vector_load %arg6[%parallel_loop3A_931, %parallel_loop3A_932] {strides = array<i32>} : memref<168x128xf32, #tpu.memory_space<vmem>>, vector<16xf32>,
        tpu.vector_store %arg6[%parallel_loop3A_931, %parallel_loop3A_932], %parallel_loop3A_930 {strides = array<i32>} : memref<168x128xf32, #tpu.memory_space<vmem>>, vector<16xf32>,
        %parallel_loop3A_934 = arith.index_cast %parallel_loop3A_876 : i32 to index
        %parallel_loop3A_935 = arith.constant 64 : index
        %parallel_loop3A_936 = tpu.vector_load %arg4[%parallel_loop3A_934, %parallel_loop3A_935] {strides = array<i32>} : memref<168x128xf32, #tpu.memory_space<vmem>>, vector<16xf32>,
        %parallel_loop3A_937 = tpu.vector_load_idx %arg4[%parallel_loop3A_877, %select_n3A_493] : memref<168x128xf32, #tpu.memory_space<vmem>>[vector<16xi32>, vector<16xi32>], vector<16xf32>,
        %parallel_loop3A_938 = arith.constant 0.899999976 : f32
        %parallel_loop3A_939 = vector.broadcast %parallel_loop3A_938 : f32 to vector<16xf32>
        %parallel_loop3A_940 = arith.mulf %parallel_loop3A_939, %parallel_loop3A_936 : vector<16xf32>
        %parallel_loop3A_941 = arith.constant 1.000000e-01 : f32
        %parallel_loop3A_942 = vector.broadcast %parallel_loop3A_941 : f32 to vector<16xf32>
        %parallel_loop3A_943 = arith.mulf %parallel_loop3A_942, %parallel_loop3A_937 : vector<16xf32>
        %parallel_loop3A_944 = arith.addf %parallel_loop3A_940, %parallel_loop3A_943 : vector<16xf32>
        %parallel_loop3A_945 = arith.index_cast %parallel_loop3A_876 : i32 to index
        %parallel_loop3A_946 = arith.constant 64 : index
        %parallel_loop3A_947 = tpu.vector_load %arg6[%parallel_loop3A_945, %parallel_loop3A_946] {strides = array<i32>} : memref<168x128xf32, #tpu.memory_space<vmem>>, vector<16xf32>,
        tpu.vector_store %arg6[%parallel_loop3A_945, %parallel_loop3A_946], %parallel_loop3A_944 {strides = array<i32>} : memref<168x128xf32, #tpu.memory_space<vmem>>, vector<16xf32>,
        %parallel_loop3A_948 = arith.index_cast %parallel_loop3A_876 : i32 to index
        %parallel_loop3A_949 = arith.constant 80 : index
        %parallel_loop3A_950 = tpu.vector_load %arg4[%parallel_loop3A_948, %parallel_loop3A_949] {strides = array<i32>} : memref<168x128xf32, #tpu.memory_space<vmem>>, vector<16xf32>,
        %parallel_loop3A_951 = tpu.vector_load_idx %arg4[%parallel_loop3A_877, %select_n3A_592] : memref<168x128xf32, #tpu.memory_space<vmem>>[vector<16xi32>, vector<16xi32>], vector<16xf32>,
        %parallel_loop3A_952 = arith.constant 0.899999976 : f32
        %parallel_loop3A_953 = vector.broadcast %parallel_loop3A_952 : f32 to vector<16xf32>
        %parallel_loop3A_954 = arith.mulf %parallel_loop3A_953, %parallel_loop3A_950 : vector<16xf32>
        %parallel_loop3A_955 = arith.constant 1.000000e-01 : f32
        %parallel_loop3A_956 = vector.broadcast %parallel_loop3A_955 : f32 to vector<16xf32>
        %parallel_loop3A_957 = arith.mulf %parallel_loop3A_956, %parallel_loop3A_951 : vector<16xf32>
        %parallel_loop3A_958 = arith.addf %parallel_loop3A_954, %parallel_loop3A_957 : vector<16xf32>
        %parallel_loop3A_959 = arith.index_cast %parallel_loop3A_876 : i32 to index
        %parallel_loop3A_960 = arith.constant 80 : index
        %parallel_loop3A_961 = tpu.vector_load %arg6[%parallel_loop3A_959, %parallel_loop3A_960] {strides = array<i32>} : memref<168x128xf32, #tpu.memory_space<vmem>>, vector<16xf32>,
        tpu.vector_store %arg6[%parallel_loop3A_959, %parallel_loop3A_960], %parallel_loop3A_958 {strides = array<i32>} : memref<168x128xf32, #tpu.memory_space<vmem>>, vector<16xf32>,
        %parallel_loop3A_962 = arith.index_cast %parallel_loop3A_876 : i32 to index
        %parallel_loop3A_963 = arith.constant 96 : index
        %parallel_loop3A_964 = tpu.vector_load %arg4[%parallel_loop3A_962, %parallel_loop3A_963] {strides = array<i32>} : memref<168x128xf32, #tpu.memory_space<vmem>>, vector<16xf32>,
        %parallel_loop3A_965 = tpu.vector_load_idx %arg4[%parallel_loop3A_877, %select_n3A_691] : memref<168x128xf32, #tpu.memory_space<vmem>>[vector<16xi32>, vector<16xi32>], vector<16xf32>,
        %parallel_loop3A_966 = arith.constant 0.899999976 : f32
        %parallel_loop3A_967 = vector.broadcast %parallel_loop3A_966 : f32 to vector<16xf32>
        %parallel_loop3A_968 = arith.mulf %parallel_loop3A_967, %parallel_loop3A_964 : vector<16xf32>
        %parallel_loop3A_969 = arith.constant 1.000000e-01 : f32
        %parallel_loop3A_970 = vector.broadcast %parallel_loop3A_969 : f32 to vector<16xf32>
        %parallel_loop3A_971 = arith.mulf %parallel_loop3A_970, %parallel_loop3A_965 : vector<16xf32>
        %parallel_loop3A_972 = arith.addf %parallel_loop3A_968, %parallel_loop3A_971 : vector<16xf32>
        %parallel_loop3A_973 = arith.index_cast %parallel_loop3A_876 : i32 to index
        %parallel_loop3A_974 = arith.constant 96 : index
        %parallel_loop3A_975 = tpu.vector_load %arg6[%parallel_loop3A_973, %parallel_loop3A_974] {strides = array<i32>} : memref<168x128xf32, #tpu.memory_space<vmem>>, vector<16xf32>,
        tpu.vector_store %arg6[%parallel_loop3A_973, %parallel_loop3A_974], %parallel_loop3A_972 {strides = array<i32>} : memref<168x128xf32, #tpu.memory_space<vmem>>, vector<16xf32>,
        %parallel_loop3A_976 = arith.index_cast %parallel_loop3A_876 : i32 to index
        %parallel_loop3A_977 = arith.constant 112 : index
        %parallel_loop3A_978 = tpu.vector_load %arg4[%parallel_loop3A_976, %parallel_loop3A_977] {strides = array<i32>} : memref<168x128xf32, #tpu.memory_space<vmem>>, vector<16xf32>,
        %parallel_loop3A_979 = tpu.vector_load_idx %arg4[%parallel_loop3A_877, %select_n3A_790] : memref<168x128xf32, #tpu.memory_space<vmem>>[vector<16xi32>, vector<16xi32>], vector<16xf32>,
        %parallel_loop3A_980 = arith.constant 0.899999976 : f32
        %parallel_loop3A_981 = vector.broadcast %parallel_loop3A_980 : f32 to vector<16xf32>
        %parallel_loop3A_982 = arith.mulf %parallel_loop3A_981, %parallel_loop3A_978 : vector<16xf32>
        %parallel_loop3A_983 = arith.constant 1.000000e-01 : f32
        %parallel_loop3A_984 = vector.broadcast %parallel_loop3A_983 : f32 to vector<16xf32>
        %parallel_loop3A_985 = arith.mulf %parallel_loop3A_984, %parallel_loop3A_979 : vector<16xf32>
        %parallel_loop3A_986 = arith.addf %parallel_loop3A_982, %parallel_loop3A_985 : vector<16xf32>
        %parallel_loop3A_987 = arith.index_cast %parallel_loop3A_876 : i32 to index
        %parallel_loop3A_988 = arith.constant 112 : index
        %parallel_loop3A_989 = tpu.vector_load %arg6[%parallel_loop3A_987, %parallel_loop3A_988] {strides = array<i32>} : memref<168x128xf32, #tpu.memory_space<vmem>>, vector<16xf32>,
        tpu.vector_store %arg6[%parallel_loop3A_987, %parallel_loop3A_988], %parallel_loop3A_986 {strides = array<i32>} : memref<168x128xf32, #tpu.memory_space<vmem>>, vector<16xf32>,
      } {sc.loop_unroll_factor = 2 : i64, sc.parallel_access}
      %mul3A_834 = arith.constant 168 : i32
      %mul3A_835 = arith.muli %mul3A_834, %add3A_822 : i32
      %add3A_836 = arith.addi %mul3A_2, %mul3A_835 : i32
      %dma_start3A_837 = arith.constant 0 : i32
      %dma_start3A_838 = tpu.memref_slice %arg3[%add3A_836, %dma_start3A_837] : memref<150528x128xf32, #tpu.memory_space<hbm>> -> memref<168x128xf32, #tpu.memory_space<hbm>>
      %dma_start3A_839 = arith.constant 0 : i32
      %dma_start3A_840 = tpu.memref_slice %arg3[%add3A_836, %dma_start3A_839] : memref<150528x128xf32, #tpu.memory_space<hbm>> -> memref<168x128xf32, #tpu.memory_space<hbm>>
      tpu.enqueue_dma source(%arg6 : memref<168x128xf32, #tpu.memory_space<vmem>>) target(%dma_start3A_840 : memref<168x128xf32, #tpu.memory_space<hbm>>) target_semaphore(%arg10 : memref<!tpu.dma_semaphore, #tpu.memory_space<semaphore_mem>>)
      %lt3A = arith.constant 26 : i32
      %lt3A_841 = arith.cmpi slt, %add3A_822, %lt3A : i32
      %convert_element_type3A_842 = arith.extui %lt3A_841 : i1 to i32
      %cond3A_843 = arith.constant 0 : i32
      %cond3A_844 = arith.cmpi ne, %convert_element_type3A_842, %cond3A_843 : i32
      scf.if %cond3A_844 {
        %add3A_876 = arith.constant 2 : i32
        %add3A_877 = arith.addi %add3A_822, %add3A_876 : i32
        %mul3A_878 = arith.constant 168 : i32
        %mul3A_879 = arith.muli %mul3A_878, %add3A_877 : i32
        %add3A_880 = arith.addi %mul3A_2, %mul3A_879 : i32
        %dma_start3A_881 = arith.constant 0 : i32
        %dma_start3A_882 = tpu.memref_slice %arg2[%add3A_880, %dma_start3A_881] : memref<150528x128xf32, #tpu.memory_space<hbm>> -> memref<168x128xf32, #tpu.memory_space<hbm>>
        %dma_start3A_883 = arith.constant 0 : i32
        %dma_start3A_884 = tpu.memref_slice %arg2[%add3A_880, %dma_start3A_883] : memref<150528x128xf32, #tpu.memory_space<hbm>> -> memref<168x128xf32, #tpu.memory_space<hbm>>
        tpu.enqueue_dma source(%dma_start3A_884 : memref<168x128xf32, #tpu.memory_space<hbm>>) target(%arg4 : memref<168x128xf32, #tpu.memory_space<vmem>>) target_semaphore(%arg8 : memref<!tpu.dma_semaphore, #tpu.memory_space<semaphore_mem>>)
      } else {
      }
      %mul3A_845 = arith.constant 2 : i32
      %mul3A_846 = arith.muli %scan3A_818, %mul3A_845 : i32
      %add3A_847 = arith.constant 1 : i32
      %add3A_848 = arith.addi %mul3A_846, %add3A_847 : i32
      %mul3A_849 = arith.constant 168 : i32
      %mul3A_850 = arith.muli %mul3A_849, %add3A_848 : i32
      %add3A_851 = arith.addi %mul3A_2, %mul3A_850 : i32
      %dma_wait3A_852 = arith.constant 0 : i32
      %dma_wait3A_853 = tpu.memref_slice %arg2[%add3A_851, %dma_wait3A_852] : memref<150528x128xf32, #tpu.memory_space<hbm>> -> memref<168x128xf32, #tpu.memory_space<hbm>>
      %dma_wait3A_854 = arith.constant 0 : i32
      %dma_wait3A_855 = tpu.memref_slice %arg2[%add3A_851, %dma_wait3A_854] : memref<150528x128xf32, #tpu.memory_space<hbm>> -> memref<168x128xf32, #tpu.memory_space<hbm>>
      tpu.wait_dma2 semaphore(%arg9 : memref<!tpu.dma_semaphore, #tpu.memory_space<semaphore_mem>>) src(%dma_wait3A_855 : memref<168x128xf32, #tpu.memory_space<hbm>>) dst(%arg5 : memref<168x128xf32, #tpu.memory_space<vmem>>)
      %ge3A_856 = arith.constant 2 : i32
      %ge3A_857 = arith.cmpi sge, %add3A_848, %ge3A_856 : i32
      %convert_element_type3A_858 = arith.extui %ge3A_857 : i1 to i32
      %cond3A_859 = arith.constant 0 : i32
      %cond3A_860 = arith.cmpi ne, %convert_element_type3A_858, %cond3A_859 : i32
      scf.if %cond3A_860 {
        %sub3A = arith.constant 2 : i32
        %sub3A_876 = arith.subi %add3A_848, %sub3A : i32
        %mul3A_877 = arith.constant 168 : i32
        %mul3A_878 = arith.muli %mul3A_877, %sub3A_876 : i32
        %add3A_879 = arith.addi %mul3A_2, %mul3A_878 : i32
        %dma_wait3A_880 = arith.constant 0 : i32
        %dma_wait3A_881 = tpu.memref_slice %arg3[%add3A_879, %dma_wait3A_880] : memref<150528x128xf32, #tpu.memory_space<hbm>> -> memref<168x128xf32, #tpu.memory_space<hbm>>
        %dma_wait3A_882 = arith.constant 0 : i32
        %dma_wait3A_883 = tpu.memref_slice %arg3[%add3A_879, %dma_wait3A_882] : memref<150528x128xf32, #tpu.memory_space<hbm>> -> memref<168x128xf32, #tpu.memory_space<hbm>>
        tpu.wait_dma2 semaphore(%arg11 : memref<!tpu.dma_semaphore, #tpu.memory_space<semaphore_mem>>) src(%arg7 : memref<168x128xf32, #tpu.memory_space<vmem>>) dst(%dma_wait3A_883 : memref<168x128xf32, #tpu.memory_space<hbm>>)
      } else {
      }
      %parallel_loop3A_861 = arith.constant 0 : i32
      %parallel_loop3A_862 = arith.constant 168 : i32
      %parallel_loop3A_863 = arith.constant 1 : i32
      scf.for %parallel_loop3A_876 = %parallel_loop3A_861 to %parallel_loop3A_862 step %parallel_loop3A_863  : i32 {
        %parallel_loop3A_877 = vector.broadcast %parallel_loop3A_876 : i32 to vector<16xi32>
        %parallel_loop3A_878 = arith.index_cast %parallel_loop3A_876 : i32 to index
        %parallel_loop3A_879 = arith.constant 0 : index
        %parallel_loop3A_880 = tpu.vector_load %arg5[%parallel_loop3A_878, %parallel_loop3A_879] {strides = array<i32>} : memref<168x128xf32, #tpu.memory_space<vmem>>, vector<16xf32>,
        %parallel_loop3A_881 = tpu.vector_load_idx %arg5[%parallel_loop3A_877, %select_n3A_97] : memref<168x128xf32, #tpu.memory_space<vmem>>[vector<16xi32>, vector<16xi32>], vector<16xf32>,
        %parallel_loop3A_882 = arith.constant 0.899999976 : f32
        %parallel_loop3A_883 = vector.broadcast %parallel_loop3A_882 : f32 to vector<16xf32>
        %parallel_loop3A_884 = arith.mulf %parallel_loop3A_883, %parallel_loop3A_880 : vector<16xf32>
        %parallel_loop3A_885 = arith.constant 1.000000e-01 : f32
        %parallel_loop3A_886 = vector.broadcast %parallel_loop3A_885 : f32 to vector<16xf32>
        %parallel_loop3A_887 = arith.mulf %parallel_loop3A_886, %parallel_loop3A_881 : vector<16xf32>
        %parallel_loop3A_888 = arith.addf %parallel_loop3A_884, %parallel_loop3A_887 : vector<16xf32>
        %parallel_loop3A_889 = arith.index_cast %parallel_loop3A_876 : i32 to index
        %parallel_loop3A_890 = arith.constant 0 : index
        %parallel_loop3A_891 = tpu.vector_load %arg7[%parallel_loop3A_889, %parallel_loop3A_890] {strides = array<i32>} : memref<168x128xf32, #tpu.memory_space<vmem>>, vector<16xf32>,
        tpu.vector_store %arg7[%parallel_loop3A_889, %parallel_loop3A_890], %parallel_loop3A_888 {strides = array<i32>} : memref<168x128xf32, #tpu.memory_space<vmem>>, vector<16xf32>,
        %parallel_loop3A_892 = arith.index_cast %parallel_loop3A_876 : i32 to index
        %parallel_loop3A_893 = arith.constant 16 : index
        %parallel_loop3A_894 = tpu.vector_load %arg5[%parallel_loop3A_892, %parallel_loop3A_893] {strides = array<i32>} : memref<168x128xf32, #tpu.memory_space<vmem>>, vector<16xf32>,
        %parallel_loop3A_895 = tpu.vector_load_idx %arg5[%parallel_loop3A_877, %select_n3A_196] : memref<168x128xf32, #tpu.memory_space<vmem>>[vector<16xi32>, vector<16xi32>], vector<16xf32>,
        %parallel_loop3A_896 = arith.constant 0.899999976 : f32
        %parallel_loop3A_897 = vector.broadcast %parallel_loop3A_896 : f32 to vector<16xf32>
        %parallel_loop3A_898 = arith.mulf %parallel_loop3A_897, %parallel_loop3A_894 : vector<16xf32>
        %parallel_loop3A_899 = arith.constant 1.000000e-01 : f32
        %parallel_loop3A_900 = vector.broadcast %parallel_loop3A_899 : f32 to vector<16xf32>
        %parallel_loop3A_901 = arith.mulf %parallel_loop3A_900, %parallel_loop3A_895 : vector<16xf32>
        %parallel_loop3A_902 = arith.addf %parallel_loop3A_898, %parallel_loop3A_901 : vector<16xf32>
        %parallel_loop3A_903 = arith.index_cast %parallel_loop3A_876 : i32 to index
        %parallel_loop3A_904 = arith.constant 16 : index
        %parallel_loop3A_905 = tpu.vector_load %arg7[%parallel_loop3A_903, %parallel_loop3A_904] {strides = array<i32>} : memref<168x128xf32, #tpu.memory_space<vmem>>, vector<16xf32>,
        tpu.vector_store %arg7[%parallel_loop3A_903, %parallel_loop3A_904], %parallel_loop3A_902 {strides = array<i32>} : memref<168x128xf32, #tpu.memory_space<vmem>>, vector<16xf32>,
        %parallel_loop3A_906 = arith.index_cast %parallel_loop3A_876 : i32 to index
        %parallel_loop3A_907 = arith.constant 32 : index
        %parallel_loop3A_908 = tpu.vector_load %arg5[%parallel_loop3A_906, %parallel_loop3A_907] {strides = array<i32>} : memref<168x128xf32, #tpu.memory_space<vmem>>, vector<16xf32>,
        %parallel_loop3A_909 = tpu.vector_load_idx %arg5[%parallel_loop3A_877, %select_n3A_295] : memref<168x128xf32, #tpu.memory_space<vmem>>[vector<16xi32>, vector<16xi32>], vector<16xf32>,
        %parallel_loop3A_910 = arith.constant 0.899999976 : f32
        %parallel_loop3A_911 = vector.broadcast %parallel_loop3A_910 : f32 to vector<16xf32>
        %parallel_loop3A_912 = arith.mulf %parallel_loop3A_911, %parallel_loop3A_908 : vector<16xf32>
        %parallel_loop3A_913 = arith.constant 1.000000e-01 : f32
        %parallel_loop3A_914 = vector.broadcast %parallel_loop3A_913 : f32 to vector<16xf32>
        %parallel_loop3A_915 = arith.mulf %parallel_loop3A_914, %parallel_loop3A_909 : vector<16xf32>
        %parallel_loop3A_916 = arith.addf %parallel_loop3A_912, %parallel_loop3A_915 : vector<16xf32>
        %parallel_loop3A_917 = arith.index_cast %parallel_loop3A_876 : i32 to index
        %parallel_loop3A_918 = arith.constant 32 : index
        %parallel_loop3A_919 = tpu.vector_load %arg7[%parallel_loop3A_917, %parallel_loop3A_918] {strides = array<i32>} : memref<168x128xf32, #tpu.memory_space<vmem>>, vector<16xf32>,
        tpu.vector_store %arg7[%parallel_loop3A_917, %parallel_loop3A_918], %parallel_loop3A_916 {strides = array<i32>} : memref<168x128xf32, #tpu.memory_space<vmem>>, vector<16xf32>,
        %parallel_loop3A_920 = arith.index_cast %parallel_loop3A_876 : i32 to index
        %parallel_loop3A_921 = arith.constant 48 : index
        %parallel_loop3A_922 = tpu.vector_load %arg5[%parallel_loop3A_920, %parallel_loop3A_921] {strides = array<i32>} : memref<168x128xf32, #tpu.memory_space<vmem>>, vector<16xf32>,
        %parallel_loop3A_923 = tpu.vector_load_idx %arg5[%parallel_loop3A_877, %select_n3A_394] : memref<168x128xf32, #tpu.memory_space<vmem>>[vector<16xi32>, vector<16xi32>], vector<16xf32>,
        %parallel_loop3A_924 = arith.constant 0.899999976 : f32
        %parallel_loop3A_925 = vector.broadcast %parallel_loop3A_924 : f32 to vector<16xf32>
        %parallel_loop3A_926 = arith.mulf %parallel_loop3A_925, %parallel_loop3A_922 : vector<16xf32>
        %parallel_loop3A_927 = arith.constant 1.000000e-01 : f32
        %parallel_loop3A_928 = vector.broadcast %parallel_loop3A_927 : f32 to vector<16xf32>
        %parallel_loop3A_929 = arith.mulf %parallel_loop3A_928, %parallel_loop3A_923 : vector<16xf32>
        %parallel_loop3A_930 = arith.addf %parallel_loop3A_926, %parallel_loop3A_929 : vector<16xf32>
        %parallel_loop3A_931 = arith.index_cast %parallel_loop3A_876 : i32 to index
        %parallel_loop3A_932 = arith.constant 48 : index
        %parallel_loop3A_933 = tpu.vector_load %arg7[%parallel_loop3A_931, %parallel_loop3A_932] {strides = array<i32>} : memref<168x128xf32, #tpu.memory_space<vmem>>, vector<16xf32>,
        tpu.vector_store %arg7[%parallel_loop3A_931, %parallel_loop3A_932], %parallel_loop3A_930 {strides = array<i32>} : memref<168x128xf32, #tpu.memory_space<vmem>>, vector<16xf32>,
        %parallel_loop3A_934 = arith.index_cast %parallel_loop3A_876 : i32 to index
        %parallel_loop3A_935 = arith.constant 64 : index
        %parallel_loop3A_936 = tpu.vector_load %arg5[%parallel_loop3A_934, %parallel_loop3A_935] {strides = array<i32>} : memref<168x128xf32, #tpu.memory_space<vmem>>, vector<16xf32>,
        %parallel_loop3A_937 = tpu.vector_load_idx %arg5[%parallel_loop3A_877, %select_n3A_493] : memref<168x128xf32, #tpu.memory_space<vmem>>[vector<16xi32>, vector<16xi32>], vector<16xf32>,
        %parallel_loop3A_938 = arith.constant 0.899999976 : f32
        %parallel_loop3A_939 = vector.broadcast %parallel_loop3A_938 : f32 to vector<16xf32>
        %parallel_loop3A_940 = arith.mulf %parallel_loop3A_939, %parallel_loop3A_936 : vector<16xf32>
        %parallel_loop3A_941 = arith.constant 1.000000e-01 : f32
        %parallel_loop3A_942 = vector.broadcast %parallel_loop3A_941 : f32 to vector<16xf32>
        %parallel_loop3A_943 = arith.mulf %parallel_loop3A_942, %parallel_loop3A_937 : vector<16xf32>
        %parallel_loop3A_944 = arith.addf %parallel_loop3A_940, %parallel_loop3A_943 : vector<16xf32>
        %parallel_loop3A_945 = arith.index_cast %parallel_loop3A_876 : i32 to index
        %parallel_loop3A_946 = arith.constant 64 : index
        %parallel_loop3A_947 = tpu.vector_load %arg7[%parallel_loop3A_945, %parallel_loop3A_946] {strides = array<i32>} : memref<168x128xf32, #tpu.memory_space<vmem>>, vector<16xf32>,
        tpu.vector_store %arg7[%parallel_loop3A_945, %parallel_loop3A_946], %parallel_loop3A_944 {strides = array<i32>} : memref<168x128xf32, #tpu.memory_space<vmem>>, vector<16xf32>,
        %parallel_loop3A_948 = arith.index_cast %parallel_loop3A_876 : i32 to index
        %parallel_loop3A_949 = arith.constant 80 : index
        %parallel_loop3A_950 = tpu.vector_load %arg5[%parallel_loop3A_948, %parallel_loop3A_949] {strides = array<i32>} : memref<168x128xf32, #tpu.memory_space<vmem>>, vector<16xf32>,
        %parallel_loop3A_951 = tpu.vector_load_idx %arg5[%parallel_loop3A_877, %select_n3A_592] : memref<168x128xf32, #tpu.memory_space<vmem>>[vector<16xi32>, vector<16xi32>], vector<16xf32>,
        %parallel_loop3A_952 = arith.constant 0.899999976 : f32
        %parallel_loop3A_953 = vector.broadcast %parallel_loop3A_952 : f32 to vector<16xf32>
        %parallel_loop3A_954 = arith.mulf %parallel_loop3A_953, %parallel_loop3A_950 : vector<16xf32>
        %parallel_loop3A_955 = arith.constant 1.000000e-01 : f32
        %parallel_loop3A_956 = vector.broadcast %parallel_loop3A_955 : f32 to vector<16xf32>
        %parallel_loop3A_957 = arith.mulf %parallel_loop3A_956, %parallel_loop3A_951 : vector<16xf32>
        %parallel_loop3A_958 = arith.addf %parallel_loop3A_954, %parallel_loop3A_957 : vector<16xf32>
        %parallel_loop3A_959 = arith.index_cast %parallel_loop3A_876 : i32 to index
        %parallel_loop3A_960 = arith.constant 80 : index
        %parallel_loop3A_961 = tpu.vector_load %arg7[%parallel_loop3A_959, %parallel_loop3A_960] {strides = array<i32>} : memref<168x128xf32, #tpu.memory_space<vmem>>, vector<16xf32>,
        tpu.vector_store %arg7[%parallel_loop3A_959, %parallel_loop3A_960], %parallel_loop3A_958 {strides = array<i32>} : memref<168x128xf32, #tpu.memory_space<vmem>>, vector<16xf32>,
        %parallel_loop3A_962 = arith.index_cast %parallel_loop3A_876 : i32 to index
        %parallel_loop3A_963 = arith.constant 96 : index
        %parallel_loop3A_964 = tpu.vector_load %arg5[%parallel_loop3A_962, %parallel_loop3A_963] {strides = array<i32>} : memref<168x128xf32, #tpu.memory_space<vmem>>, vector<16xf32>,
        %parallel_loop3A_965 = tpu.vector_load_idx %arg5[%parallel_loop3A_877, %select_n3A_691] : memref<168x128xf32, #tpu.memory_space<vmem>>[vector<16xi32>, vector<16xi32>], vector<16xf32>,
        %parallel_loop3A_966 = arith.constant 0.899999976 : f32
        %parallel_loop3A_967 = vector.broadcast %parallel_loop3A_966 : f32 to vector<16xf32>
        %parallel_loop3A_968 = arith.mulf %parallel_loop3A_967, %parallel_loop3A_964 : vector<16xf32>
        %parallel_loop3A_969 = arith.constant 1.000000e-01 : f32
        %parallel_loop3A_970 = vector.broadcast %parallel_loop3A_969 : f32 to vector<16xf32>
        %parallel_loop3A_971 = arith.mulf %parallel_loop3A_970, %parallel_loop3A_965 : vector<16xf32>
        %parallel_loop3A_972 = arith.addf %parallel_loop3A_968, %parallel_loop3A_971 : vector<16xf32>
        %parallel_loop3A_973 = arith.index_cast %parallel_loop3A_876 : i32 to index
        %parallel_loop3A_974 = arith.constant 96 : index
        %parallel_loop3A_975 = tpu.vector_load %arg7[%parallel_loop3A_973, %parallel_loop3A_974] {strides = array<i32>} : memref<168x128xf32, #tpu.memory_space<vmem>>, vector<16xf32>,
        tpu.vector_store %arg7[%parallel_loop3A_973, %parallel_loop3A_974], %parallel_loop3A_972 {strides = array<i32>} : memref<168x128xf32, #tpu.memory_space<vmem>>, vector<16xf32>,
        %parallel_loop3A_976 = arith.index_cast %parallel_loop3A_876 : i32 to index
        %parallel_loop3A_977 = arith.constant 112 : index
        %parallel_loop3A_978 = tpu.vector_load %arg5[%parallel_loop3A_976, %parallel_loop3A_977] {strides = array<i32>} : memref<168x128xf32, #tpu.memory_space<vmem>>, vector<16xf32>,
        %parallel_loop3A_979 = tpu.vector_load_idx %arg5[%parallel_loop3A_877, %select_n3A_790] : memref<168x128xf32, #tpu.memory_space<vmem>>[vector<16xi32>, vector<16xi32>], vector<16xf32>,
        %parallel_loop3A_980 = arith.constant 0.899999976 : f32
        %parallel_loop3A_981 = vector.broadcast %parallel_loop3A_980 : f32 to vector<16xf32>
        %parallel_loop3A_982 = arith.mulf %parallel_loop3A_981, %parallel_loop3A_978 : vector<16xf32>
        %parallel_loop3A_983 = arith.constant 1.000000e-01 : f32
        %parallel_loop3A_984 = vector.broadcast %parallel_loop3A_983 : f32 to vector<16xf32>
        %parallel_loop3A_985 = arith.mulf %parallel_loop3A_984, %parallel_loop3A_979 : vector<16xf32>
        %parallel_loop3A_986 = arith.addf %parallel_loop3A_982, %parallel_loop3A_985 : vector<16xf32>
        %parallel_loop3A_987 = arith.index_cast %parallel_loop3A_876 : i32 to index
        %parallel_loop3A_988 = arith.constant 112 : index
        %parallel_loop3A_989 = tpu.vector_load %arg7[%parallel_loop3A_987, %parallel_loop3A_988] {strides = array<i32>} : memref<168x128xf32, #tpu.memory_space<vmem>>, vector<16xf32>,
        tpu.vector_store %arg7[%parallel_loop3A_987, %parallel_loop3A_988], %parallel_loop3A_986 {strides = array<i32>} : memref<168x128xf32, #tpu.memory_space<vmem>>, vector<16xf32>,
      } {sc.loop_unroll_factor = 2 : i64, sc.parallel_access}
      %mul3A_864 = arith.constant 168 : i32
      %mul3A_865 = arith.muli %mul3A_864, %add3A_848 : i32
      %add3A_866 = arith.addi %mul3A_2, %mul3A_865 : i32
      %dma_start3A_867 = arith.constant 0 : i32
      %dma_start3A_868 = tpu.memref_slice %arg3[%add3A_866, %dma_start3A_867] : memref<150528x128xf32, #tpu.memory_space<hbm>> -> memref<168x128xf32, #tpu.memory_space<hbm>>
      %dma_start3A_869 = arith.constant 0 : i32
      %dma_start3A_870 = tpu.memref_slice %arg3[%add3A_866, %dma_start3A_869] : memref<150528x128xf32, #tpu.memory_space<hbm>> -> memref<168x128xf32, #tpu.memory_space<hbm>>
      tpu.enqueue_dma source(%arg7 : memref<168x128xf32, #tpu.memory_space<vmem>>) target(%dma_start3A_870 : memref<168x128xf32, #tpu.memory_space<hbm>>) target_semaphore(%arg11 : memref<!tpu.dma_semaphore, #tpu.memory_space<semaphore_mem>>)
      %lt3A_871 = arith.constant 26 : i32
      %lt3A_872 = arith.cmpi slt, %add3A_848, %lt3A_871 : i32
      %convert_element_type3A_873 = arith.extui %lt3A_872 : i1 to i32
      %cond3A_874 = arith.constant 0 : i32
      %cond3A_875 = arith.cmpi ne, %convert_element_type3A_873, %cond3A_874 : i32
      scf.if %cond3A_875 {
        %add3A_876 = arith.constant 2 : i32
        %add3A_877 = arith.addi %add3A_848, %add3A_876 : i32
        %mul3A_878 = arith.constant 168 : i32
        %mul3A_879 = arith.muli %mul3A_878, %add3A_877 : i32
        %add3A_880 = arith.addi %mul3A_2, %mul3A_879 : i32
        %dma_start3A_881 = arith.constant 0 : i32
        %dma_start3A_882 = tpu.memref_slice %arg2[%add3A_880, %dma_start3A_881] : memref<150528x128xf32, #tpu.memory_space<hbm>> -> memref<168x128xf32, #tpu.memory_space<hbm>>
        %dma_start3A_883 = arith.constant 0 : i32
        %dma_start3A_884 = tpu.memref_slice %arg2[%add3A_880, %dma_start3A_883] : memref<150528x128xf32, #tpu.memory_space<hbm>> -> memref<168x128xf32, #tpu.memory_space<hbm>>
        tpu.enqueue_dma source(%dma_start3A_884 : memref<168x128xf32, #tpu.memory_space<hbm>>) target(%arg5 : memref<168x128xf32, #tpu.memory_space<vmem>>) target_semaphore(%arg9 : memref<!tpu.dma_semaphore, #tpu.memory_space<semaphore_mem>>)
      } else {
      }
    }
    %scan3A_806 = arith.constant 14 : i32
    %add3A_807 = arith.constant 4368 : i32
    %add3A_808 = arith.addi %mul3A_2, %add3A_807 : i32
    %dma_wait3A = arith.constant 0 : i32
    %dma_wait3A_809 = tpu.memref_slice %arg3[%add3A_808, %dma_wait3A] : memref<150528x128xf32, #tpu.memory_space<hbm>> -> memref<168x128xf32, #tpu.memory_space<hbm>>
    %dma_wait3A_810 = arith.constant 0 : i32
    %dma_wait3A_811 = tpu.memref_slice %arg3[%add3A_808, %dma_wait3A_810] : memref<150528x128xf32, #tpu.memory_space<hbm>> -> memref<168x128xf32, #tpu.memory_space<hbm>>
    tpu.wait_dma2 semaphore(%arg10 : memref<!tpu.dma_semaphore, #tpu.memory_space<semaphore_mem>>) src(%arg6 : memref<168x128xf32, #tpu.memory_space<vmem>>) dst(%dma_wait3A_811 : memref<168x128xf32, #tpu.memory_space<hbm>>)
    %add3A_812 = arith.constant 4536 : i32
    %add3A_813 = arith.addi %mul3A_2, %add3A_812 : i32
    %dma_wait3A_814 = arith.constant 0 : i32
    %dma_wait3A_815 = tpu.memref_slice %arg3[%add3A_813, %dma_wait3A_814] : memref<150528x128xf32, #tpu.memory_space<hbm>> -> memref<168x128xf32, #tpu.memory_space<hbm>>
    %dma_wait3A_816 = arith.constant 0 : i32
    %dma_wait3A_817 = tpu.memref_slice %arg3[%add3A_813, %dma_wait3A_816] : memref<150528x128xf32, #tpu.memory_space<hbm>> -> memref<168x128xf32, #tpu.memory_space<hbm>>
    tpu.wait_dma2 semaphore(%arg11 : memref<!tpu.dma_semaphore, #tpu.memory_space<semaphore_mem>>) src(%arg7 : memref<168x128xf32, #tpu.memory_space<vmem>>) dst(%dma_wait3A_817 : memref<168x128xf32, #tpu.memory_space<hbm>>)
    return
  }
}

</mosaic_0001>

<sc_bundles>
// kernel: kernel.3.cloned.1.call-start
scs
__scs_entry_jumppad:
0x0: {  	(pc) =	sbr.rel $0x88, $3  }
0x1: {  	(tag) =	ssettag $0x0;
	lr =	simm.s32 $0x1  }
0x2: {  	[smem:$0x3FA0] =	sst lr;
	_ =	strace $0xD0000000  }
0x3: {  	_ = 	snop  }
0x4: {  	_ = 	snop  }
0x5: {  	_ = 	snop  }
0x6: {  	_ = 	snop  }
0x7: {  	_ = 	snop  }
__scs_overlays_trampoline_lowered:
0x8: {  	[smem:$0x3FAF] =	sst s0  }
0x9: {  	[smem:$0x3FB0] =	sst s1  }
0xa: {  	[smem:$0x3FB1] =	sst s2  }
0xb: {  	[smem:$0x3FB2] =	sst s3  }
0xc: {  	[smem:$0x3FB3] =	sst s4  }
0xd: {  	[smem:$0x3FB4] =	sst s5  }
0xe: {  	[smem:$0x3FB5] =	sst s6  }
0xf: {  	[smem:$0x3FB6] =	sst s7  }
0x10: {  	[smem:$0x3FB7] =	sst s8  }
0x11: {  	[smem:$0x3FB8] =	sst s9;
	s0 =	simm.s32 @!p0 $0x0  }
0x12: {  	s1 =	sld [smem:$0x3F9E];
	s0 =	simm.s32 @p0 $0x1  }
0x13: {  	[smem:$0x3FB9] =	sst s0;
	s0 =	simm.s32 @!p1 $0x0  }
0x14: {  	s2 =	sld [smem:$0x3F9D];
	s0 =	simm.s32 @p1 $0x1  }
0x15: {  	[smem:$0x3FBA] =	sst s0;
	s0 =	simm.s32 @!p2 $0x0  }
0x16: {  	s3 =	sld [smem:$0x3FDB];
	s0 =	simm.s32 @p2 $0x1  }
0x17: {  	s4 =	simm.s32 $0x1BF5;
	[smem:$0x3FBC] =	sst s0  }
0x18: {  	s0 =	sld [smem:$0x3F9F];
	_ =	swait.ge [sflag:s4], $0x0  }
0x19: {  	s7 =	sld [smem:$0x3FA0]  }
0x1a: {  	s8 =	sadd.s32 $0xFFFFE003, lr  }
0x1b: {  	s9 =	sadd.s32 $0xFFFFFEF7, lr;
	s5 =	simm.s32 $0xFFFFFFFF;
	p2 =	slt.u32 s8, $0xFFFFF086  }
0x1c: {  	p1 =	slt.u32 s9, $0xF7A;
	s5 =	simm.s32 @!p2 $0x0  }
0x1d: {  	s5 =	simm.s32 @p1 $0x1;
	p0 =	seq.s32 s7, s2  }
0x1e: {  	s7 =	smul.u32 @!p0 $0xF7A, s2;
	p2 =	seq.s32 @!p0 s5, $0x0  }
0x1f: {  	s9 =	smul.u32 $0xF7A, s1;
	s8 =	simm.s32 @!p0 $0x1BF5;
	p2 =	por !p2, p0  }
0x20: {  	[sflag:s8] =	ssyncset.s32 @!p0 $0xFFFFF086;
	s6 =	sadd.s32 @!p0 s3, s7;
	s7 =	simm.s32 @!p0 $0x108  }
0x21: {  	s3 =	sadd.s32 s3, s9;
	s6 =	sadd.s32 @!p0 $0x88, s6;
	s7 =	simm.s32 @p2 $0x1082  }
0x22: {  	[simem:s7], [sflag:s8] =	dma.local @!p0 [hbm:s6], $0xF7A  }
0x23: {  	s9 =	sor.u32 $0xD0000000, s2;
	s6 =	simm.s32 $0x108;
	_ =	swait.ge @!p0 [sflag:s8], $0x0  }
0x24: {  	s3 =	sadd.s32 $0x88, s3;
	s6 =	simm.s32 @!p1 $0x1082;
	[sflag:s4] =	ssyncset.s32 $0xFFFFF086  }
0x25: {  	[simem:s6], [sflag:s4] =	dma.local [hbm:s3], $0xF7A  }
0x26: {  	[smem:$0x3FA0] =	sst s1;
	(tag) =	ssettag s2;
	_ =	strace s9  }
0x27: {  	s1 =	sld [smem:$0x3FB0]  }
0x28: {  	s2 =	sld [smem:$0x3FB1]  }
0x29: {  	s4 =	sld [smem:$0x3FB3]  }
0x2a: {  	p0 =	seq.s32 s5, $0x0;
	s5 =	sld [smem:$0x3FB4]  }
0x2b: {  	s6 =	sld [smem:$0x3FB5]  }
0x2c: {  	s7 =	sld [smem:$0x3FB6]  }
0x2d: {  	s3 =	simm.s32 $0x108;
	s8 =	sld [smem:$0x3FB7]  }
0x2e: {  	s3 =	simm.s32 @!p0 $0x1082;
	s9 =	sld [smem:$0x3FB8]  }
0x2f: {  	lr =	sadd.s32 s0, s3;
	s0 =	sld [smem:$0x3FAF]  }
0x30: {  	s3 =	sld [smem:$0x3FB2]  }
0x31: {  	[smem:$0x3FBB] =	sst s10  }
0x32: {  	s10 =	sld [smem:$0x3FB9];
	_ =	sdelay $0x3  }
0x33: {  	p0 =	seq.s32 s10, $0x1;
	s10 =	sld [smem:$0x3FBB];
	_ =	sdelay $0x3  }
0x34: {  	[smem:$0x3FBB] =	sst s10  }
0x35: {  	s10 =	sld [smem:$0x3FBA];
	_ =	sdelay $0x3  }
0x36: {  	p1 =	seq.s32 s10, $0x1;
	s10 =	sld [smem:$0x3FBB];
	_ =	sdelay $0x3  }
0x37: {  	[smem:$0x3FBB] =	sst s10  }
0x38: {  	s10 =	sld [smem:$0x3FBC]  }
0x39: {  	_ = 	snop;
	(pc) =	sbr.ind lr, $3  }
0x3a: {  	_ = 	snop  }
0x3b: {  	_ = 	snop  }
0x3c: {  	p2 =	seq.s32 s10, $0x1;
	s10 =	sld [smem:$0x3FBB]  }
0x3d: {  	_ =	shalt  }
0x3e: {  	_ =	shalt  }
0x3f: {  	_ =	shalt  }
0x40: {  	_ =	shalt  }
0x41: {  	_ =	shalt  }
0x42: {  	_ =	shalt  }
0x43: {  	_ =	shalt  }
0x44: {  	_ =	shalt  }
0x45: {  	_ =	shalt  }
0x46: {  	_ =	shalt  }
0x47: {  	_ =	shalt  }
0x48: {  	_ =	shalt  }
0x49: {  	_ =	shalt  }
0x4a: {  	_ =	shalt  }
0x4b: {  	_ =	shalt  }
0x4c: {  	_ =	shalt  }
0x4d: {  	_ =	shalt  }
0x4e: {  	_ =	shalt  }
0x4f: {  	_ =	shalt  }
0x50: {  	_ =	shalt  }
0x51: {  	_ =	shalt  }
0x52: {  	_ =	shalt  }
0x53: {  	_ =	shalt  }
0x54: {  	_ =	shalt  }
0x55: {  	_ =	shalt  }
0x56: {  	_ =	shalt  }
0x57: {  	_ =	shalt  }
0x58: {  	_ =	shalt  }
0x59: {  	_ =	shalt  }
0x5a: {  	_ =	shalt  }
0x5b: {  	_ =	shalt  }
0x5c: {  	_ =	shalt  }
0x5d: {  	_ =	shalt  }
0x5e: {  	_ =	shalt  }
0x5f: {  	_ =	shalt  }
0x60: {  	_ =	shalt  }
0x61: {  	_ =	shalt  }
0x62: {  	_ =	shalt  }
0x63: {  	_ =	shalt  }
0x64: {  	_ =	shalt  }
0x65: {  	_ =	shalt  }
0x66: {  	_ =	shalt  }
0x67: {  	_ =	shalt  }
0x68: {  	_ =	shalt  }
0x69: {  	_ =	shalt  }
0x6a: {  	_ =	shalt  }
0x6b: {  	_ =	shalt  }
0x6c: {  	_ =	shalt  }
0x6d: {  	_ =	shalt  }
0x6e: {  	_ =	shalt  }
0x6f: {  	_ =	shalt  }
0x70: {  	_ =	shalt  }
0x71: {  	_ =	shalt  }
0x72: {  	_ =	shalt  }
0x73: {  	_ =	shalt  }
0x74: {  	_ =	shalt  }
0x75: {  	_ =	shalt  }
0x76: {  	_ =	shalt  }
0x77: {  	_ =	shalt  }
0x78: {  	_ =	shalt  }
0x79: {  	_ =	shalt  }
0x7a: {  	_ =	shalt  }
0x7b: {  	_ =	shalt  }
0x7c: {  	_ =	shalt  }
0x7d: {  	_ =	shalt  }
0x7e: {  	_ =	shalt  }
0x7f: {  	_ =	shalt  }
0x80: {  	_ =	shalt  }
0x81: {  	_ =	shalt  }
0x82: {  	_ =	shalt  }
0x83: {  	_ =	shalt  }
0x84: {  	_ =	shalt  }
0x85: {  	_ =	shalt  }
0x86: {  	_ =	shalt  }
0x87: {  	_ =	shalt  }
.Lfunc_end0:
.L_simem_size_0:
called_computation_lowered:
.L_overlay_start_0:
0x88: {  	s2 =	sld [smem:$0x3FD9]  }
0x89: {  	s3 =	sld [smem:$0x3FFE];
	_ =	sdelay $0x1  }
0x8a: {  	s1 =	srdreg.scid  }
0x8b: {  	s0 =	sand.u32 $0x1, s1  }
0x8c: {  	s18 =	sshll.u32 s0, $0xA;
	s2 =	sadd.s32 s3, s2  }
0x8d: {  	s2 =	sadd.s32 s2, s18  }
0x8e: {  	[smem:$0x3FC7] =	sst s2  }
0x8f: {  	_ = 	snop  }
0x90: {  	s2 =	sld [smem:$0x3FC9]  }
0x91: {  	s19 =	sld [smem:$0x3FD0];
	(tm) =	ssettm $0x1  }
0x92: {  	s4 =	sld [smem:$0x3FFB];
	_ =	sdelay $0x3  }
0x93: {  	_ =	strace s4  }
0x94: {  	s4 =	sld [smem:$0x3FFC];
	_ =	sdelay $0x3  }
0x95: {  	_ =	strace s4  }
0x96: {  	s4 =	sld [smem:$0x3FFD];
	_ =	sdelay $0x3  }
0x97: {  	_ =	strace s4  }
0x98: {  	_ =	strace $0x8FFFFFFF  }
0x99: {  	s20 =	sld [smem:$0x3FDB];
	_ =	sdelay $0x1  }
0x9a: {  	s5 =	simm.s32 $_scs_section_size  }
0x9b: {  	s6 =	simm.s32 $_size__tile_overlayer_lowered;
	s7 =	simm.s32 $_tile_overlayer_lowered  }
0x9c: {  	s23 =	simm.s32 $0x1BFF;
	s22 =	sshll.u32 s7, $0x1;
	s4 =	sadd.s32 s5, s20  }
0x9d: {  	s8 =	simm.s32 $0x0;
	s21 =	sshll.u32 s6, $0x1;
	s6 =	sadd.s32 s22, s4  }
0x9e: {  	[timem:s8], [sflag:s23] =	dma.local [hbm:s6], s21  }
0x9f: {  	_ =	swait.ge [sflag:s23], s21  }
0xa0: {  	s5 =	ssub.s32 $0x0, s21;
	[sflag:s23] =	ssyncset.done $0x0  }
0xa1: {  	[sflag:s23] =	ssyncadd.s32 s5;
	_ =	sdelay $0x1  }
0xa2: {  	s24 =	simm.s32 $0x1B8B  }
0xa3: {  	_ =	swait.ge [sflag:s24], $0x1  }
0xa4: {  	[sflag:s24] =	ssyncset.done $0x0  }
0xa5: {  	s25 =	simm.s32 $0x1B8E;
	[sflag:s24] =	ssyncadd.s32 $0xFFFFFFFF  }
0xa6: {  	s26 =	simm.s32 $execute0_lowered;
	[smem:$0x3FD2] =	sst s25  }
0xa7: {  	s5 =	sshll.u32 s26, $0x1;
	_ =	strace $0x80000046;
	[dreg:$0x1] =	wrdreg $0xFFFFFFFF  }
0xa8: {  	s28 =	simm.s32 $_size_execute0_lowered;
	s4 =	sadd.s32 s4, s5;
	[dreg:$0x0] =	wrdreg $0x0  }
0xa9: {  	s5 =	sshll.u32 s28, $0x1;
	[dreg:$0x2] =	wrdreg s4  }
0xaa: {  	[dreg:$0x3] =	wrdreg s5  }
0xab: {  	[dreg:$0x4] =	wrdreg $0xC0  }
0xac: {  	_ =	task [dreg:s8], $0x5FFFF  }
0xad: {  	[dreg:$0x1] =	wrdreg $0xFFFFFFFF  }
0xae: {  	[dreg:$0x0] =	wrdreg $0x60  }
0xaf: {  	[dreg:$0x2] =	wrdreg s2  }
0xb0: {  	[dreg:$0x3] =	wrdreg s19  }
0xb1: {  	[dreg:$0x4] =	wrdreg $0x9  }
0xb2: {  	_ =	task.clear_ibuf [dreg:s8], $0x5FFFF;
	_ =	strace $0x90000046  }
0xb3: {  	s29 =	simm.s32 $0x9;
	_ =	strace $0x80000048  }
0xb4: {  	_ =	swait.ge [sflag:s29], $0x1  }
0xb5: {  	[sflag:s29] =	ssyncadd.s32 $0xFFFFFFFF  }
0xb6: {  	_ =	strace $0x90000048  }
0xb7: {  	_ =	sfence  }
0xb8: {  	s30 =	sld [smem:$0x0];
	_ =	sdelay $0x2  }
0xb9: {  	s31 =	sshll.u32 s1, $0xD;
	s1 =	sshrl.u32 s1, $0x2  }
0xba: {  	s3 =	sand.u32 $0x4000, s31;
	s1 =	sadd.s32 s1, s30  }
0xbb: {  	s0 =	sor.u32 s3, s0;
	s1 =	sshll.u32 s1, $0x11  }
0xbc: {  	s0 =	sor.u32 s1, s0  }
0xbd: {  	s0 =	sadd.s32 $0x8F2B, s0  }
0xbe: {  	[sflag:s0] =	ssyncadd.remote.s32 $0x1  }
0xbf: {  	_ =	sfence.sel $0xFFFF  }
0xc0: {  	[dreg:$0x0] =	wrdreg $0xFFFFFFFF;
	(pc) =	sbr.abs _section_cstart, $3  }
0xc1: {  	[dreg:$0x1] =	wrdreg $0xFFFFFFFF  }
0xc2: {  	_ =	task.clear_ibuf [dreg:s8], $0x2FFFF;
	_ =	strace $0x9FFFFFFF  }
0xc3: {  	(tm) =	ssettm $0x7FFFFFFF  }
tec
execute0_lowered:
.L_overlay_start_1:
0x0: {  	(tag) =	ssettag $0x1  }
0x1: {  	v0 =	vimm.s32 $0x6C2D0031  }
0x2: {  	v1 =	vimm.s32 $0x6D3E7938;
	vm0 =	vcmask $0x1F10;
	v2 =	vimm.s32 $0x7D565E16  }
0x3: {  	v3 =	vimm.s32 $0x751E5F4E;
	v4 =	vimm.s32 $0x2235477F;
	v5 =	vimm.s32 $0x40094D03  }
0x4: {  	v6 =	vimm.s32 $0x25323405;
	v7 =	vimm.s32 $0x6545086A;
	v8 =	vimm.s32 $0x41426E5A  }
0x5: {  	v9 =	vimm.s32 $0x784F5549;
	v10 =	vimm.s32 $0x673295B;
	v57 =	vimm.s32 $0x2339023B  }
0x6: {  	v58 =	vimm.s32 $0x48281363;
	v60 =	vimm.s32 $0x720B772C;
	v62 =	vimm.s32 $0x3D2F1926  }
0x7: {  	v11 =	vimm.s32 $0x441C0F60;
	v0 =	vunpack.c.0.s8.s32 v0;
	v1 =	vunpack.c.0.s8.s32 v1  }
0x8: {  	v12 =	vimm.s32 $0x181D1758;
	v13 =	vimm.s32 $0x146F7107;
	v14 =	vimm.s32 $0x5D4C7A0A  }
0x9: {  	v15 =	vimm.s32 $0xC105754;
	v0 =	vsel vm0, v1, v0;
	v1 =	vimm.s32 $0x2B676962  }
0xa: {  	v2 =	vunpack.c.0.s8.s32 v2;
	v3 =	vunpack.c.0.s8.s32 v3;
	v1 =	vunpack.c.0.s8.s32 v1  }
0xb: {  	v4 =	vunpack.c.0.s8.s32 v4;
	v7 =	vunpack.c.0.s8.s32 v7;
	v8 =	vunpack.c.0.s8.s32 v8  }
0xc: {  	v1 =	vsel vm0, v2, v1;
	v2 =	vunpack.c.0.s8.s32 v5;
	v5 =	vunpack.c.0.s8.s32 v6  }
0xd: {  	v3 =	vsel vm0, v4, v3;
	v4 =	vimm.s32 $0x51335C3A;
	v6 =	vimm.s32 $0x2A64306B  }
0xe: {  	v4 =	vunpack.c.0.s8.s32 v4;
	v2 =	vsel vm0, v5, v2;
	v5 =	vunpack.c.0.s8.s32 v6  }
0xf: {  	v56 =	vunpack.c.0.s8.s32 v10;
	v0 =	vcombine.low v1, v0;
	v1 =	vcombine.low v2, v3  }
0x10: {  	v3 =	vimm.s32 $0x740E1253;
	v2 =	vsel vm0, v5, v4;
	v4 =	vimm.s32 $0x7C4A012E  }
0x11: {  	v59 =	vunpack.c.0.s8.s32 v58;
	v3 =	vunpack.c.0.s8.s32 v3;
	v4 =	vunpack.c.0.s8.s32 v4  }
0x12: {  	v61 =	vunpack.c.0.s8.s32 v60;
	v6 =	vimm.s32 $0x211B6620;
	v5 =	vimm.s32 $0x4431115  }
0x13: {  	v6 =	vunpack.c.0.s8.s32 v6;
	v5 =	vunpack.c.0.s8.s32 v5;
	v3 =	vsel vm0, v4, v3  }
0x14: {  	s0 =	srdreg.scid;
	s1 =	rddreg [dreg:$0x0];
	v10 =	vunpack.c.0.s8.s32 v62;
	v11 =	vunpack.c.0.s8.s32 v11;
	v2 =	vcombine.low v3, v2  }
0x15: {  	s2 =	stileid.u32;
	s3 =	rddreg [dreg:$0x1];
	s4 =	simm.s32 $0x0;
	v3 =	vsel vm0, v6, v5;
	v5 =	vsel vm0, v8, v7;
	v6 =	vimm.s32 $0x270D683F  }
0x16: {  	s12 =	simm.s32 $0x5400;
	s0 =	sand.u32 $0x1, s0;
	s2 =	sshll.u32 s2, $0x1;
	v7 =	vimm.s32 $0x1F503676;
	v8 =	vimm.s32 $0x24611A7E;
	v3 =	vcombine.low v5, v3  }
0x17: {  	s13 =	simm.s32 $0x1;
	s14 =	simm.s32 $0xA800;
	s2 =	sor.u32 s0, s2;
	v5 =	vimm.s32 $0x7B46594B;
	v7 =	vunpack.c.0.s8.s32 v7;
	v8 =	vunpack.c.0.s8.s32 v8  }
0x18: {  	s15 =	simm.s32 $0x2;
	v12 =	vunpack.c.0.s8.s32 v12;
	s0 =	ssub.s32 $0x2, s0;
	s5 =	smul.u32 $0x93000, s2;
	v6 =	vunpack.c.0.s8.s32 v6;
	v5 =	vunpack.c.0.s8.s32 v5  }
0x19: {  	[smem:$0x7FF] =	sst s4;
	v13 =	vunpack.c.0.s8.s32 v13;
	s6 =	smul.u32 $0x12600, s2;
	s8 =	sshrl.u32 s0, $0x1;
	v4 =	vunpack.c.0.s8.s32 v9;
	v7 =	vsel vm0, v8, v7  }
0x1a: {  	s16 =	simm.s32 $0xFC00;
	_ =	strace $0x80000047;
	s0 =	ssub.s32 s0, s8;
	v8 =	vimm.s32 $0x3770523C;
	v5 =	vsel vm0, v6, v5;
	v6 =	vunpack.c.0.s8.s32 v57  }
.Ltmp0:
0x1b: {  	v14 =	vunpack.c.0.s8.s32 v14;
	s5 =	sshrl.u32 s5, $0x3;
	s31 =	sadd.s32 s1, s6;
	v4 =	vsel vm0, v56, v4;
	v8 =	vunpack.c.0.s8.s32 v8;
	(pc) =	sbr.rel .LBB2_1-.Ltmp0, $4  }
0x1c: {  	v15 =	vunpack.c.0.s8.s32 v15;
	s0 =	smax.u32 s0, $0x1;
	s7 =	sadd.s32 s1, s5;
	[dreg:$0x4] =	wrdreg s31;
	v4 =	vcombine.low v5, v4;
	v6 =	vsel vm0, v59, v6  }
0x1d: {  	s5 =	smul.u32 $0x1260, s2;
	[dreg:$0x5] =	wrdreg s0;
	s30 =	sadd.s32 $0xA80, s7;
	v5 =	vcombine.low v6, v7;
	v6 =	vsel vm0, v61, v8;
	v7 =	vsel vm0, v11, v10  }
0x1e: {  	s18 =	simm.s32 $0x4;
	s19 =	simm.s32 $0x0;
	v63 =	vsel vm0, v15, v14;
	[dreg:$0x3] =	wrdreg s30;
	v8 =	vsel vm0, v13, v12;
	v6 =	vcombine.low v7, v6  }
0x1f: {  	s8 =	sadd.s32 $0x150, s5;
	s9 =	sadd.s32 $0xA8, s5;
	s10 =	sadd.s32 $0x1F8, s5;
	v7 =	vcombine.low v63, v8  }
.LBB2_8:
0x20: {  	s0 =	simm.s32 $0x3  }
0x21: {  	_ =	swait.ge [sflag:s0], $0x5400  }
0x22: {  	[sflag:s0] =	ssyncset.done $0x0  }
0x23: {  	[sflag:s0] =	ssyncadd.s32 $0xFFFFAC00  }
0x24: {  	_ =	swait.ge [sflag:s18], $0x5400  }
0x25: {  	s19 =	sadd.s32 $0x1, s19;
	s31 =	rddreg [dreg:$0x5]  }
0x26: {  	p0 =	sne.s32 s19, s31  }
.Ltmp1:
0x27: {  	_ = 	snop;
	(pc) =	sbr.rel @!p0 .LBB2_9-.Ltmp1, $3  }
0x28: {  	_ =	sdelay $0x1  }
0x29: {  	[sflag:s18] =	ssyncset.done $0x0  }
0x2a: {  	[sflag:s18] =	ssyncadd.s32 $0xFFFFAC00  }
.LBB2_1:
0x2b: {  	s0 =	rddreg [dreg:$0x4]  }
0x2c: {  	[tilespmem:s4], [sflag:$0x1] =	stream.linear.gather [hbm4b:s0+s4], $0x5400, $0x38;
	[tilespmem:$0x15000] =	vst v63  }
0x2d: {  	s31 =	rddreg [dreg:$0x3];
	s20 =	simm.s32 $0x0  }
0x2e: {  	[tilespmem:s12], [sflag:$0x2] =	stream.linear.gather [hbm4b:s31+s4], $0x5400, $0x38;
	[tilespmem:$0x15000] =	vst v63  }
.LBB2_2:
0x2f: {  	_ =	swait.ge [sflag:s13], $0x5400;
	s2 =	simm.s32 $0x80  }
0x30: {  	p0 =	seq.s32 s20, $0x0;
	[sflag:s13] =	ssyncset.done $0x0;
	v8 =	vor.u32 s2, v0  }
0x31: {  	s0 =	simm.s32 @!p0 $0x3;
	[sflag:s13] =	ssyncadd.s32 $0xFFFFAC00  }
0x32: {  	_ =	swait.ge @!p0 [sflag:s0], $0x5400  }
0x33: {  	[sflag:s0] =	ssyncset.done @!p0 $0x0  }
0x34: {  	[sflag:s0] =	ssyncadd.s32 @!p0 $0xFFFFAC00  }
0x35: {  	s28 =	simm.s32 $0x80;
	v8 =	vld.idx.msk [tilespmem:v8+s4+$0x0], $0xffff  }
0x36: {  	s21 =	simm.s32 $0x0;
	v9 =	vld [tilespmem:s28+$0x0]  }
0x37: {  	v10 =	vor.u32 s21, v0;
	_ =	sdelay $0x3  }
0x38: {  	v9 =	vmul.f32 $8.999999760e-01, v9;
	v8 =	vmul.f32 $1.000000010e-01, v8  }
0x39: {  	v11 =	vor.u32 s2, v1;
	v10 =	vld.idx.msk [tilespmem:v10+s4+$0x0], $0xffff  }
0x3a: {  	v12 =	vld [tilespmem:s28+$0xFFFFFF80];
	v8 =	vadd.f32 v8, v9  }
0x3b: {  	s22 =	simm.s32 $0xA880  }
0x3c: {  	[tilespmem:s22+$0x0] =	vst v8  }
0x3d: {  	v8 =	vld [tilespmem:s28+$0x10]  }
0x3e: {  	v9 =	vld.idx.msk [tilespmem:v11+s4+$0x0], $0xffff  }
0x3f: {  	v10 =	vmul.f32 $1.000000010e-01, v10;
	v12 =	vmul.f32 $8.999999760e-01, v12  }
0x40: {  	v11 =	vor.u32 s21, v1  }
0x41: {  	v10 =	vadd.f32 v10, v12;
	_ =	sdelay $0x1  }
0x42: {  	[tilespmem:s22+$0xFFFFFF80] =	vst v10;
	v10 =	vor.u32 s2, v2;
	v8 =	vmul.f32 $8.999999760e-01, v8;
	v9 =	vmul.f32 $1.000000010e-01, v9  }
0x43: {  	v12 =	vld [tilespmem:s28+$0xFFFFFF90]  }
0x44: {  	v11 =	vld.idx.msk [tilespmem:v11+s4+$0x0], $0xffff;
	v8 =	vadd.f32 v9, v8;
	_ =	sdelay $0x1  }
0x45: {  	[tilespmem:s22+$0x10] =	vst v8  }
0x46: {  	v8 =	vld.idx.msk [tilespmem:v10+s4+$0x0], $0xffff  }
0x47: {  	v9 =	vld [tilespmem:s28+$0x20]  }
0x48: {  	s6 =	simm.s32 $0x180;
	v12 =	vmul.f32 $8.999999760e-01, v12;
	v10 =	vor.u32 s21, v2;
	v11 =	vmul.f32 $1.000000010e-01, v11  }
0x49: {  	v13 =	vor.u32 s6, v0  }
0x4a: {  	v11 =	vadd.f32 v11, v12;
	_ =	sdelay $0x1  }
0x4b: {  	[tilespmem:s22+$0xFFFFFF90] =	vst v11;
	v11 =	vor.u32 s2, v3;
	v9 =	vmul.f32 $8.999999760e-01, v9;
	v8 =	vmul.f32 $1.000000010e-01, v8  }
0x4c: {  	v10 =	vld.idx.msk [tilespmem:v10+s4+$0x0], $0xffff  }
0x4d: {  	s24 =	simm.s32 $0x180;
	v8 =	vadd.f32 v8, v9;
	v9 =	vld.idx.msk [tilespmem:v13+s4+$0x0], $0xffff  }
0x4e: {  	s7 =	simm.s32 $0x100;
	v13 =	vld [tilespmem:s24+$0x0]  }
0x4f: {  	v12 =	vor.u32 s7, v0;
	v14 =	vld [tilespmem:s28+$0xFFFFFFA0];
	[tilespmem:s22+$0x20] =	vst v8  }
0x50: {  	v8 =	vld.idx.msk [tilespmem:v11+s4+$0x0], $0xffff  }
0x51: {  	v11 =	vld [tilespmem:s28+$0x30];
	_ =	sdelay $0x1  }
0x52: {  	v16 =	vld [tilespmem:s24+$0xFFFFFF80];
	v13 =	vmul.f32 $8.999999760e-01, v13;
	v9 =	vmul.f32 $1.000000010e-01, v9  }
0x53: {  	v15 =	vor.u32 s21, v3;
	v17 =	vor.u32 s6, v1;
	v12 =	vld.idx.msk [tilespmem:v12+s4+$0x0], $0xffff  }
0x54: {  	v14 =	vmul.f32 $8.999999760e-01, v14;
	v10 =	vmul.f32 $1.000000010e-01, v10;
	v9 =	vadd.f32 v9, v13  }
0x55: {  	s23 =	simm.s32 $0xA980;
	v11 =	vmul.f32 $8.999999760e-01, v11;
	v8 =	vmul.f32 $1.000000010e-01, v8  }
0x56: {  	v10 =	vadd.f32 v10, v14;
	v13 =	vor.u32 s2, v4;
	[tilespmem:s23+$0x0] =	vst v9  }
0x57: {  	v8 =	vadd.f32 v8, v11;
	v9 =	vld [tilespmem:s24+$0x10]  }
0x58: {  	v12 =	vmul.f32 $1.000000010e-01, v12;
	[tilespmem:s22+$0xFFFFFFA0] =	vst v10;
	v10 =	vmul.f32 $8.999999760e-01, v16;
	v11 =	vor.u32 s7, v1;
	v14 =	vld.idx.msk [tilespmem:v17+s4+$0x0], $0xffff  }
0x59: {  	v15 =	vld.idx.msk [tilespmem:v15+s4+$0x0], $0xffff;
	[tilespmem:s22+$0x30] =	vst v8  }
0x5a: {  	v8 =	vadd.f32 v12, v10;
	v10 =	vld [tilespmem:s28+$0x40]  }
0x5b: {  	v12 =	vld.idx.msk [tilespmem:v13+s4+$0x0], $0xffff  }
0x5c: {  	v13 =	vld [tilespmem:s28+$0xFFFFFFB0];
	[tilespmem:s23+$0xFFFFFF80] =	vst v8  }
0x5d: {  	v8 =	vld.idx.msk [tilespmem:v11+s4+$0x0], $0xffff;
	v9 =	vmul.f32 $8.999999760e-01, v9;
	v11 =	vmul.f32 $1.000000010e-01, v14;
	v14 =	vor.u32 s6, v2  }
0x5e: {  	v16 =	vld [tilespmem:s24+$0xFFFFFF90]  }
0x5f: {  	v9 =	vadd.f32 v11, v9  }
0x60: {  	v11 =	vor.u32 s2, v5;
	v10 =	vmul.f32 $8.999999760e-01, v10;
	v12 =	vmul.f32 $1.000000010e-01, v12  }
0x61: {  	[tilespmem:s23+$0x10] =	vst v9  }
0x62: {  	v9 =	vmul.f32 $8.999999760e-01, v13;
	v13 =	vmul.f32 $1.000000010e-01, v15;
	v10 =	vadd.f32 v12, v10;
	v12 =	vld.idx.msk [tilespmem:v14+s4+$0x0], $0xffff  }
0x63: {  	v14 =	vor.u32 s7, v2;
	v15 =	vmul.f32 $8.999999760e-01, v16;
	v8 =	vmul.f32 $1.000000010e-01, v8;
	v16 =	vld [tilespmem:s24+$0x20]  }
0x64: {  	v9 =	vadd.f32 v13, v9;
	[tilespmem:s22+$0x40] =	vst v10  }
0x65: {  	v17 =	vor.u32 s21, v4;
	v8 =	vadd.f32 v8, v15;
	v10 =	vld.idx.msk [tilespmem:v11+s4+$0x0], $0xffff  }
0x66: {  	s29 =	simm.s32 $0x280;
	s26 =	simm.s32 $0x280;
	[tilespmem:s22+$0xFFFFFFB0] =	vst v9;
	v9 =	vld [tilespmem:s28+$0x50]  }
0x67: {  	v19 =	vld [tilespmem:s26+$0x0];
	v11 =	vor.u32 s29, v0;
	[tilespmem:s23+$0xFFFFFF90] =	vst v8  }
0x68: {  	v15 =	vor.u32 s6, v3;
	v8 =	vld.idx.msk [tilespmem:v14+s4+$0x0], $0xffff;
	v14 =	vmul.f32 $8.999999760e-01, v16;
	v12 =	vmul.f32 $1.000000010e-01, v12  }
0x69: {  	s11 =	simm.s32 $0x200;
	v16 =	vld [tilespmem:s24+$0xFFFFFFA0]  }
0x6a: {  	v18 =	vor.u32 s11, v0;
	v13 =	vld.idx.msk [tilespmem:v17+s4+$0x0], $0xffff;
	v12 =	vadd.f32 v12, v14  }
0x6b: {  	v17 =	vld [tilespmem:s28+$0xFFFFFFC0];
	v9 =	vmul.f32 $8.999999760e-01, v9;
	v10 =	vmul.f32 $1.000000010e-01, v10  }
0x6c: {  	v14 =	vor.u32 s2, v6;
	v11 =	vld.idx.msk [tilespmem:v11+s4+$0x0], $0xffff;
	[tilespmem:s23+$0x20] =	vst v12  }
0x6d: {  	v9 =	vadd.f32 v10, v9;
	v10 =	vld.idx.msk [tilespmem:v15+s4+$0x0], $0xffff  }
0x6e: {  	v12 =	vor.u32 s7, v3;
	v15 =	vmul.f32 $8.999999760e-01, v16;
	v8 =	vmul.f32 $1.000000010e-01, v8;
	v16 =	vld [tilespmem:s24+$0x30]  }
0x6f: {  	v20 =	vor.u32 s21, v5;
	v18 =	vld.idx.msk [tilespmem:v18+s4+$0x0], $0xffff  }
0x70: {  	v13 =	vmul.f32 $1.000000010e-01, v13;
	[tilespmem:s22+$0x50] =	vst v9;
	v9 =	vmul.f32 $8.999999760e-01, v17;
	v8 =	vadd.f32 v8, v15;
	v15 =	vld [tilespmem:s26+$0xFFFFFF80]  }
0x71: {  	v17 =	vmul.f32 $8.999999760e-01, v19;
	v14 =	vld.idx.msk [tilespmem:v14+s4+$0x0], $0xffff;
	v11 =	vmul.f32 $1.000000010e-01, v11  }
0x72: {  	v9 =	vadd.f32 v13, v9;
	v13 =	vld [tilespmem:s28+$0x60];
	[tilespmem:s23+$0xFFFFFFA0] =	vst v8;
	v8 =	vor.u32 s29, v1  }
0x73: {  	v12 =	vld.idx.msk [tilespmem:v12+s4+$0x0], $0xffff;
	v11 =	vadd.f32 v11, v17;
	v16 =	vmul.f32 $8.999999760e-01, v16;
	v10 =	vmul.f32 $1.000000010e-01, v10  }
0x74: {  	s25 =	simm.s32 $0xAA80;
	v17 =	vor.u32 s6, v4;
	[tilespmem:s22+$0xFFFFFFC0] =	vst v9;
	v9 =	vld [tilespmem:s24+$0xFFFFFFB0]  }
0x75: {  	v19 =	vld.idx.msk [tilespmem:v20+s4+$0x0], $0xffff;
	[tilespmem:s25+$0x0] =	vst v11;
	v10 =	vadd.f32 v10, v16  }
0x76: {  	v11 =	vor.u32 s11, v1;
	v16 =	vmul.f32 $1.000000010e-01, v18;
	v15 =	vmul.f32 $8.999999760e-01, v15;
	v18 =	vld [tilespmem:s26+$0x10]  }
0x77: {  	v20 =	vor.u32 s2, v7;
	v8 =	vld.idx.msk [tilespmem:v8+s4+$0x0], $0xffff;
	[tilespmem:s23+$0x30] =	vst v10  }
0x78: {  	v10 =	vmul.f32 $8.999999760e-01, v13;
	v13 =	vmul.f32 $1.000000010e-01, v14;
	v14 =	vadd.f32 v16, v15;
	v15 =	vld [tilespmem:s24+$0x40]  }
0x79: {  	v12 =	vmul.f32 $1.000000010e-01, v12;
	v16 =	vld.idx.msk [tilespmem:v17+s4+$0x0], $0xffff  }
0x7a: {  	v21 =	vld [tilespmem:s28+$0xFFFFFFD0];
	v17 =	vor.u32 s7, v4;
	v9 =	vmul.f32 $8.999999760e-01, v9;
	v10 =	vadd.f32 v13, v10;
	[tilespmem:s25+$0xFFFFFF80] =	vst v14  }
0x7b: {  	v13 =	vor.u32 s29, v2;
	v11 =	vld.idx.msk [tilespmem:v11+s4+$0x0], $0xffff  }
0x7c: {  	v9 =	vadd.f32 v12, v9;
	[tilespmem:s22+$0x60] =	vst v10;
	v10 =	vld [tilespmem:s26+$0xFFFFFF90];
	v12 =	vmul.f32 $8.999999760e-01, v18;
	v8 =	vmul.f32 $1.000000010e-01, v8  }
0x7d: {  	v18 =	vor.u32 s6, v5;
	v14 =	vld.idx.msk [tilespmem:v20+s4+$0x0], $0xffff  }
0x7e: {  	v20 =	vld [tilespmem:s28+$0x70];
	[tilespmem:s23+$0xFFFFFFB0] =	vst v9;
	v9 =	vmul.f32 $8.999999760e-01, v15;
	v8 =	vadd.f32 v8, v12;
	v12 =	vmul.f32 $1.000000010e-01, v16  }
0x7f: {  	v19 =	vmul.f32 $1.000000010e-01, v19;
	v16 =	vld.idx.msk [tilespmem:v17+s4+$0x0], $0xffff  }
0x80: {  	v15 =	vor.u32 s21, v6;
	v17 =	vmul.f32 $8.999999760e-01, v21;
	v21 =	vld [tilespmem:s24+$0xFFFFFFC0];
	[tilespmem:s25+$0x10] =	vst v8;
	v8 =	vadd.f32 v12, v9  }
0x81: {  	v11 =	vmul.f32 $1.000000010e-01, v11;
	v9 =	vor.u32 s11, v2;
	v10 =	vmul.f32 $8.999999760e-01, v10;
	v12 =	vld.idx.msk [tilespmem:v13+s4+$0x0], $0xffff  }
0x82: {  	v13 =	vadd.f32 v19, v17;
	v17 =	vld [tilespmem:s26+$0x20];
	[tilespmem:s23+$0x40] =	vst v8  }
0x83: {  	s17 =	simm.s32 $0x300;
	v8 =	vadd.f32 v11, v10;
	v10 =	vld.idx.msk [tilespmem:v18+s4+$0x0], $0xffff  }
0x84: {  	v11 =	vor.u32 s17, v0;
	[tilespmem:s22+$0xFFFFFFD0] =	vst v13;
	v13 =	vld [tilespmem:s24+$0x50]  }
0x85: {  	s2 =	simm.s32 $0x380;
	v18 =	vld.idx.msk [tilespmem:v15+s4+$0x0], $0xffff;
	[tilespmem:s25+$0xFFFFFF90] =	vst v8  }
0x86: {  	v15 =	vor.u32 s2, v0;
	v8 =	vld.idx.msk [tilespmem:v9+s4+$0x0], $0xffff  }
0x87: {  	v19 =	vor.u32 s29, v3;
	v9 =	vld [tilespmem:s26+$0xFFFFFFA0];
	v17 =	vmul.f32 $8.999999760e-01, v17;
	v12 =	vmul.f32 $1.000000010e-01, v12  }
0x88: {  	v23 =	vor.u32 s6, v6;
	v22 =	vld [tilespmem:s28+$0xFFFFFFE0]  }
0x89: {  	s31 =	simm.s32 $0x380;
	v11 =	vld.idx.msk [tilespmem:v11+s4+$0x0], $0xffff;
	v12 =	vadd.f32 v12, v17;
	v13 =	vmul.f32 $8.999999760e-01, v13;
	v10 =	vmul.f32 $1.000000010e-01, v10  }
0x8a: {  	v17 =	vld [tilespmem:s31+$0x0]  }
0x8b: {  	v15 =	vld.idx.msk [tilespmem:v15+s4+$0x0], $0xffff;
	[tilespmem:s25+$0x20] =	vst v12;
	v10 =	vadd.f32 v10, v13  }
0x8c: {  	v12 =	vor.u32 s11, v3;
	v9 =	vmul.f32 $8.999999760e-01, v9;
	v8 =	vmul.f32 $1.000000010e-01, v8;
	v13 =	vld.idx.msk [tilespmem:v19+s4+$0x0], $0xffff  }
0x8d: {  	v16 =	vmul.f32 $1.000000010e-01, v16;
	v24 =	vld [tilespmem:s26+$0x30];
	[tilespmem:s23+$0x50] =	vst v10  }
0x8e: {  	v19 =	vor.u32 s7, v5;
	v10 =	vmul.f32 $8.999999760e-01, v21;
	v8 =	vadd.f32 v8, v9;
	v9 =	vld.idx.msk [tilespmem:v23+s4+$0x0], $0xffff  }
0x8f: {  	v21 =	vld [tilespmem:s24+$0x60]  }
0x90: {  	v17 =	vmul.f32 $8.999999760e-01, v17;
	v10 =	vadd.f32 v16, v10;
	v16 =	vld [tilespmem:s31+$0xFFFFFF80];
	v15 =	vmul.f32 $1.000000010e-01, v15;
	[tilespmem:s25+$0xFFFFFFA0] =	vst v8  }
0x91: {  	v8 =	vor.u32 s2, v1;
	v12 =	vld.idx.msk [tilespmem:v12+s4+$0x0], $0xffff  }
0x92: {  	[tilespmem:s23+$0xFFFFFFC0] =	vst v10;
	v10 =	vadd.f32 v15, v17;
	v15 =	vld [tilespmem:s26+$0xFFFFFFB0];
	v17 =	vmul.f32 $8.999999760e-01, v24;
	v13 =	vmul.f32 $1.000000010e-01, v13  }
0x93: {  	s30 =	simm.s32 $0xAB80;
	v25 =	vor.u32 s21, v7;
	v23 =	vor.u32 s29, v4;
	v24 =	vor.u32 s6, v7;
	v19 =	vld.idx.msk [tilespmem:v19+s4+$0x0], $0xffff  }
0x94: {  	[tilespmem:s30+$0x0] =	vst v10;
	v10 =	vadd.f32 v13, v17;
	v13 =	vld [tilespmem:s24+$0xFFFFFFD0];
	v17 =	vmul.f32 $8.999999760e-01, v21;
	v21 =	vmul.f32 $1.000000010e-01, v9  }
0x95: {  	v26 =	vor.u32 s7, v6;
	v27 =	vor.u32 s17, v1;
	v22 =	vmul.f32 $8.999999760e-01, v22;
	v28 =	vld [tilespmem:s31+$0x10]  }
0x96: {  	v11 =	vmul.f32 $1.000000010e-01, v11;
	v16 =	vmul.f32 $8.999999760e-01, v16;
	v29 =	vld.idx.msk [tilespmem:v8+s4+$0x0], $0xffff;
	[tilespmem:s25+$0x30] =	vst v10;
	v8 =	vadd.f32 v21, v17  }
0x97: {  	v18 =	vmul.f32 $1.000000010e-01, v18;
	v21 =	vor.u32 s11, v4;
	v17 =	vmul.f32 $8.999999760e-01, v20;
	v30 =	vld [tilespmem:s26+$0x40]  }
0x98: {  	v12 =	vmul.f32 $1.000000010e-01, v12;
	v11 =	vadd.f32 v11, v16;
	v15 =	vmul.f32 $8.999999760e-01, v15;
	v23 =	vld.idx.msk [tilespmem:v23+s4+$0x0], $0xffff;
	[tilespmem:s23+$0x60] =	vst v8  }
0x99: {  	v33 =	vor.u32 s29, v5;
	v20 =	vmul.f32 $1.000000010e-01, v14;
	v16 =	vmul.f32 $1.000000010e-01, v19;
	v19 =	vld.idx.msk [tilespmem:v24+s4+$0x0], $0xffff  }
0x9a: {  	v18 =	vadd.f32 v18, v22;
	s6 =	simm.s32 $0x480;
	v13 =	vmul.f32 $8.999999760e-01, v13;
	[tilespmem:s30+$0xFFFFFF80] =	vst v11;
	v11 =	vadd.f32 v12, v15;
	v12 =	vld [tilespmem:s24+$0x70]  }
0x9b: {  	v34 =	vor.u32 s6, v0;
	v24 =	vadd.f32 v20, v17;
	v27 =	vld.idx.msk [tilespmem:v27+s4+$0x0], $0xffff;
	v20 =	vmul.f32 $8.999999760e-01, v28  }
0x9c: {  	v28 =	vmul.f32 $1.000000010e-01, v29;
	v29 =	vor.u32 s2, v2;
	v13 =	vadd.f32 v16, v13;
	[tilespmem:s25+$0xFFFFFFB0] =	vst v11;
	v11 =	vld [tilespmem:s31+$0xFFFFFF90]  }
0x9d: {  	v9 =	vor.u32 s7, v7;
	v14 =	vor.u32 s11, v5;
	v10 =	vor.u32 s11, v6;
	v32 =	vld.idx.msk [tilespmem:v21+s4+$0x0], $0xffff  }
0x9e: {  	v21 =	vadd.f32 v28, v20;
	v28 =	vld [tilespmem:s26+$0xFFFFFFC0];
	v30 =	vmul.f32 $8.999999760e-01, v30;
	v23 =	vmul.f32 $1.000000010e-01, v23;
	[tilespmem:s23+$0xFFFFFFD0] =	vst v13  }
0x9f: {  	v8 =	vor.u32 s11, v7;
	v17 =	vor.u32 s17, v2;
	v15 =	vor.u32 s17, v4;
	v20 =	vld.idx.msk [tilespmem:v26+s4+$0x0], $0xffff  }
0xa0: {  	v26 =	vmul.f32 $8.999999760e-01, v12;
	v19 =	vmul.f32 $1.000000010e-01, v19;
	[tilespmem:s30+$0x10] =	vst v21;
	v23 =	vadd.f32 v23, v30;
	v21 =	vld [tilespmem:s24+$0xFFFFFFE0]  }
0xa1: {  	v16 =	vor.u32 s17, v3;
	[tilespmem:s22+$0x70] =	vst v24;
	v24 =	vmul.f32 $1.000000010e-01, v27;
	v30 =	vld.idx.msk [tilespmem:v29+s4+$0x0], $0xffff;
	v22 =	vmul.f32 $8.999999760e-01, v11  }
0xa2: {  	v13 =	vor.u32 s17, v5;
	v12 =	vor.u32 s17, v6;
	v31 =	vld [tilespmem:s31+$0x20];
	v19 =	vadd.f32 v19, v26;
	[tilespmem:s25+$0x40] =	vst v23  }
0xa3: {  	s21 =	smul.u32 $0x150, s20;
	[tilespmem:s22+$0xFFFFFFE0] =	vst v18;
	s7 =	simm.s32 $0x400;
	v11 =	vor.u32 s17, v7;
	v26 =	vmul.f32 $8.999999760e-01, v28;
	v28 =	vld.idx.msk [tilespmem:v33+s4+$0x0], $0xffff;
	v18 =	vadd.f32 v24, v22  }
0xa4: {  	v23 =	vor.u32 s7, v1;
	v27 =	vmul.f32 $1.000000010e-01, v32;
	v33 =	vor.u32 s7, v0;
	v29 =	vld [tilespmem:s26+$0x50];
	[tilespmem:s23+$0x70] =	vst v19  }
0xa5: {  	s0 =	sadd.s32 s5, s21;
	s11 =	simm.s32 $0xA;
	v32 =	vor.u32 s7, v2;
	v24 =	vor.u32 s7, v3;
	v19 =	vor.u32 s7, v4;
	[tilespmem:s30+$0xFFFFFF90] =	vst v18;
	v18 =	vld.idx.msk [tilespmem:v25+s4+$0x0], $0xffff  }
.LBB2_3:
0xa6: {  	p1 =	slt.u32 s11, $0xA6;
	v35 =	vor.u32 s7, v5;
	v25 =	vor.u32 s7, v6;
	v36 =	vld.idx.msk [tilespmem:v17+s4+$0x0], $0xffff;
	v26 =	vadd.f32 v27, v26;
	v22 =	vmovc v11;
	v17 =	vmovc v32  }
0xa7: {  	v30 =	vmul.f32 $1.000000010e-01, v30;
	v27 =	vld [tilespmem:s31+$0xFFFFFFA0];
	v11 =	vmul.f32 $8.999999760e-01, v31;
	v31 =	vor.u32 s2, v3  }
0xa8: {  	v21 =	vmul.f32 $8.999999760e-01, v21;
	v20 =	vmul.f32 $1.000000010e-01, v20;
	[tilespmem:s25+$0xFFFFFFC0] =	vst v26;
	v26 =	vor.u32 s29, v6;
	v32 =	vld [tilespmem:s28+$0xFFFFFFF0];
	s28 =	smov.u32 s24;
	s24 =	smov.u32 s26;
	s26 =	smov.u32 s31  }
0xa9: {  	v28 =	vmul.f32 $1.000000010e-01, v28;
	v33 =	vld.idx.msk [tilespmem:v33+s4+$0x0], $0xffff;
	v30 =	vadd.f32 v30, v11;
	v29 =	vmul.f32 $8.999999760e-01, v29  }
0xaa: {  	s31 =	sadd.s32 $0x100, s31;
	v20 =	vadd.f32 v20, v21;
	v11 =	vor.u32 s7, v7;
	v34 =	vld.idx.msk [tilespmem:v34+s4+$0x0], $0xffff  }
0xab: {  	v18 =	vmul.f32 $1.000000010e-01, v18;
	v21 =	vld [tilespmem:s31+$0x0];
	[tilespmem:s30+$0x20] =	vst v30;
	v28 =	vadd.f32 v28, v29  }
0xac: {  	v29 =	vmul.f32 $1.000000010e-01, v36;
	v27 =	vmul.f32 $8.999999760e-01, v27;
	v30 =	vld.idx.msk [tilespmem:v31+s4+$0x0], $0xffff;
	[tilespmem:s23+$0xFFFFFFE0] =	vst v20  }
0xad: {  	v20 =	vld [tilespmem:s26+$0x30];
	[tilespmem:s25+$0x50] =	vst v28;
	v28 =	vmul.f32 $8.999999760e-01, v32  }
0xae: {  	v27 =	vadd.f32 v29, v27;
	v26 =	vld.idx.msk [tilespmem:v26+s4+$0x0], $0xffff  }
0xaf: {  	v29 =	vmul.f32 $1.000000010e-01, v33;
	v31 =	vld [tilespmem:s24+$0x60];
	v18 =	vadd.f32 v18, v28  }
0xb0: {  	v32 =	vmul.f32 $1.000000010e-01, v34;
	v28 =	vld [tilespmem:s31+$0xFFFFFF80];
	v21 =	vmul.f32 $8.999999760e-01, v21;
	[tilespmem:s30+$0xFFFFFFA0] =	vst v27  }
0xb1: {  	v27 =	vor.u32 s6, v1;
	v33 =	vld.idx.msk [tilespmem:v16+s4+$0x0], $0xffff;
	[tilespmem:s22+$0xFFFFFFF0] =	vst v18;
	v16 =	vmov v24;
	s22 =	smov.u32 s23;
	s23 =	smov.u32 s25;
	s25 =	smov.u32 s30  }
0xb2: {  	v24 =	vmul.f32 $1.000000010e-01, v30;
	v18 =	vadd.f32 v32, v21;
	v21 =	vld [tilespmem:s26+$0xFFFFFFB0];
	v20 =	vmul.f32 $8.999999760e-01, v20  }
0xb3: {  	v34 =	vor.u32 s29, v7;
	s29 =	smov.u32 s2;
	v30 =	vor.u32 s2, v4;
	s30 =	sadd.s32 $0x100, s30;
	s2 =	smov.u32 s6;
	v32 =	vld.idx.msk [tilespmem:v14+s4+$0x0], $0xffff;
	v14 =	vmovc v13;
	v13 =	vmov v35  }
0xb4: {  	v26 =	vmul.f32 $1.000000010e-01, v26;
	[tilespmem:s30+$0x0] =	vst v18;
	v18 =	vadd.f32 v24, v20;
	v20 =	vld [tilespmem:s24+$0xFFFFFFD0];
	v24 =	vmul.f32 $8.999999760e-01, v31  }
0xb5: {  	v28 =	vmul.f32 $8.999999760e-01, v28;
	v31 =	vld [tilespmem:s31+$0x10]  }
0xb6: {  	v27 =	vld.idx.msk [tilespmem:v27+s4+$0x0], $0xffff;
	[tilespmem:s25+$0x30] =	vst v18;
	v18 =	vadd.f32 v26, v24  }
0xb7: {  	v26 =	vmul.f32 $1.000000010e-01, v33;
	v24 =	vadd.f32 v29, v28;
	v21 =	vmul.f32 $8.999999760e-01, v21;
	v28 =	vld [tilespmem:s26+$0x40]  }
0xb8: {  	v29 =	vld.idx.msk [tilespmem:v30+s4+$0x0], $0xffff;
	[tilespmem:s23+$0x60] =	vst v18  }
0xb9: {  	[tilespmem:s30+$0xFFFFFF80] =	vst v24;
	v18 =	vadd.f32 v26, v21;
	v20 =	vmul.f32 $8.999999760e-01, v20;
	v21 =	vmul.f32 $1.000000010e-01, v32;
	v24 =	vld.idx.msk [tilespmem:v34+s4+$0x0], $0xffff  }
0xba: {  	v26 =	vld [tilespmem:s24+$0x70]  }
0xbb: {  	v23 =	vld.idx.msk [tilespmem:v23+s4+$0x0], $0xffff;
	[tilespmem:s25+$0xFFFFFFB0] =	vst v18;
	v18 =	vadd.f32 v21, v20  }
0xbc: {  	v20 =	vmul.f32 $8.999999760e-01, v31;
	v21 =	vmul.f32 $1.000000010e-01, v27;
	v27 =	vor.u32 s2, v2;
	v30 =	vld [tilespmem:s31+$0xFFFFFF90]  }
0xbd: {  	v33 =	vor.u32 s29, v5;
	v32 =	vld.idx.msk [tilespmem:v15+s4+$0x0], $0xffff;
	[tilespmem:s23+$0xFFFFFFD0] =	vst v18;
	v15 =	vmov v19  }
0xbe: {  	v18 =	vadd.f32 v21, v20;
	v21 =	vmul.f32 $8.999999760e-01, v28;
	v28 =	vmul.f32 $1.000000010e-01, v29;
	v19 =	vld [tilespmem:s26+$0xFFFFFFC0]  }
0xbf: {  	v24 =	vmul.f32 $1.000000010e-01, v24;
	v20 =	vld.idx.msk [tilespmem:v10+s4+$0x0], $0xffff;
	v26 =	vmul.f32 $8.999999760e-01, v26;
	v10 =	vmovc v12;
	v12 =	vmov v25  }
0xc0: {  	[tilespmem:s30+$0x10] =	vst v18;
	v18 =	vadd.f32 v28, v21;
	v21 =	vld [tilespmem:s24+$0xFFFFFFE0]  }
.Ltmp2:
0xc1: {  	v23 =	vmul.f32 $1.000000010e-01, v23;
	v25 =	vmul.f32 $8.999999760e-01, v30;
	v30 =	vld.idx.msk [tilespmem:v27+s4+$0x0], $0xffff;
	v24 =	vadd.f32 v24, v26;
	(pc) =	sbr.rel @p1 .LBB2_3-.Ltmp2, $4  }
0xc2: {  	v31 =	vld [tilespmem:s31+$0x20];
	[tilespmem:s25+$0x40] =	vst v18  }
0xc3: {  	s7 =	sshll.u32 s11, $0x7;
	v27 =	vmul.f32 $1.000000010e-01, v32;
	v18 =	vadd.f32 v23, v25;
	v26 =	vmul.f32 $8.999999760e-01, v19;
	v28 =	vld.idx.msk [tilespmem:v33+s4+$0x0], $0xffff;
	[tilespmem:s23+$0x70] =	vst v24  }
0xc4: {  	s6 =	sadd.s32 $0x80, s7;
	v32 =	vor.u32 s7, v2;
	v33 =	vor.u32 s7, v0;
	v23 =	vor.u32 s7, v1;
	v29 =	vld [tilespmem:s26+$0x50]  }
0xc5: {  	s11 =	sadd.s32 $0x2, s11;
	v34 =	vor.u32 s6, v0;
	v24 =	vor.u32 s7, v3;
	v19 =	vor.u32 s7, v4;
	[tilespmem:s30+$0xFFFFFF90] =	vst v18;
	v18 =	vld.idx.msk [tilespmem:v9+s4+$0x0], $0xffff;
	v9 =	vmovc v8;
	v8 =	vmovc v22  }
0xc6: {  	_ =	sdelay $0x3  }
0xc7: {  	v22 =	vld.idx.msk [tilespmem:v34+s4+$0x0], $0xffff;
	s17 =	sadd.s32 $0x100, s31  }
0xc8: {  	v25 =	vld [tilespmem:s17+$0x0];
	_ =	sdelay $0x2  }
0xc9: {  	v33 =	vld.idx.msk [tilespmem:v33+s4+$0x0], $0xffff  }
0xca: {  	v50 =	vld [tilespmem:s17+$0xFFFFFF80]  }
0xcb: {  	v22 =	vmul.f32 $1.000000010e-01, v22;
	v25 =	vmul.f32 $8.999999760e-01, v25  }
0xcc: {  	v35 =	vor.u32 s6, v1  }
0xcd: {  	v22 =	vadd.f32 v22, v25  }
0xce: {  	s11 =	sadd.s32 $0x100, s30  }
0xcf: {  	v25 =	vmul.f32 $1.000000010e-01, v33;
	[tilespmem:s11+$0x0] =	vst v22;
	v22 =	vmul.f32 $8.999999760e-01, v50  }
0xd0: {  	v51 =	vld [tilespmem:s17+$0x10]  }
0xd1: {  	v52 =	vld.idx.msk [tilespmem:v35+s4+$0x0], $0xffff;
	v22 =	vadd.f32 v25, v22;
	_ =	sdelay $0x1  }
0xd2: {  	[tilespmem:s11+$0xFFFFFF80] =	vst v22  }
0xd3: {  	v22 =	vld.idx.msk [tilespmem:v23+s4+$0x0], $0xffff  }
0xd4: {  	v23 =	vld [tilespmem:s17+$0xFFFFFF90]  }
0xd5: {  	v54 =	vor.u32 s6, v2;
	v25 =	vmul.f32 $8.999999760e-01, v51;
	v53 =	vmul.f32 $1.000000010e-01, v52;
	_ =	sdelay $0x1  }
0xd6: {  	v25 =	vadd.f32 v53, v25;
	_ =	sdelay $0x1  }
0xd7: {  	[tilespmem:s11+$0x10] =	vst v25;
	v23 =	vmul.f32 $8.999999760e-01, v23;
	v22 =	vmul.f32 $1.000000010e-01, v22  }
0xd8: {  	v25 =	vld.idx.msk [tilespmem:v54+s4+$0x0], $0xffff  }
0xd9: {  	v55 =	vld [tilespmem:s17+$0x20];
	v22 =	vadd.f32 v22, v23  }
0xda: {  	v17 =	vld.idx.msk [tilespmem:v17+s4+$0x0], $0xffff;
	v30 =	vmul.f32 $1.000000010e-01, v30;
	v23 =	vmul.f32 $8.999999760e-01, v31;
	v31 =	vor.u32 s2, v3  }
0xdb: {  	v56 =	vld [tilespmem:s31+$0xFFFFFFA0];
	[tilespmem:s11+$0xFFFFFF90] =	vst v22  }
0xdc: {  	v22 =	vadd.f32 v30, v23;
	v23 =	vld.idx.msk [tilespmem:v32+s4+$0x0], $0xffff  }
0xdd: {  	v30 =	vld [tilespmem:s17+$0xFFFFFFA0]  }
0xde: {  	v57 =	vor.u32 s6, v3;
	[tilespmem:s30+$0x20] =	vst v22;
	v22 =	vmul.f32 $8.999999760e-01, v55;
	v25 =	vmul.f32 $1.000000010e-01, v25  }
0xdf: {  	v31 =	vld.idx.msk [tilespmem:v31+s4+$0x0], $0xffff  }
0xe0: {  	v58 =	vmul.f32 $8.999999760e-01, v56;
	v59 =	vmul.f32 $1.000000010e-01, v17;
	v60 =	vld [tilespmem:s31+$0x30];
	v22 =	vadd.f32 v25, v22;
	_ =	sdelay $0x1  }
0xe1: {  	v25 =	vadd.f32 v59, v58;
	[tilespmem:s11+$0x20] =	vst v22;
	v22 =	vmul.f32 $8.999999760e-01, v30;
	v23 =	vmul.f32 $1.000000010e-01, v23  }
0xe2: {  	v28 =	vmul.f32 $1.000000010e-01, v28;
	v32 =	vld.idx.msk [tilespmem:v57+s4+$0x0], $0xffff  }
0xe3: {  	v29 =	vmul.f32 $8.999999760e-01, v29;
	v30 =	vor.u32 s29, v6;
	[tilespmem:s30+$0xFFFFFFA0] =	vst v25;
	v25 =	vld [tilespmem:s17+$0x30];
	v22 =	vadd.f32 v23, v22  }
0xe4: {  	v16 =	vld.idx.msk [tilespmem:v16+s4+$0x0], $0xffff;
	v23 =	vmul.f32 $8.999999760e-01, v60;
	v31 =	vmul.f32 $1.000000010e-01, v31  }
0xe5: {  	v61 =	vor.u32 s2, v4;
	v28 =	vadd.f32 v28, v29;
	v29 =	vld [tilespmem:s31+$0xFFFFFFB0];
	[tilespmem:s11+$0xFFFFFFA0] =	vst v22  }
0xe6: {  	v22 =	vadd.f32 v31, v23;
	v23 =	vld.idx.msk [tilespmem:v24+s4+$0x0], $0xffff  }
0xe7: {  	[tilespmem:s25+$0x50] =	vst v28;
	v24 =	vld [tilespmem:s17+$0xFFFFFFB0]  }
0xe8: {  	v28 =	vld.idx.msk [tilespmem:v30+s4+$0x0], $0xffff;
	[tilespmem:s30+$0x30] =	vst v22;
	v22 =	vmul.f32 $8.999999760e-01, v25;
	v25 =	vmul.f32 $1.000000010e-01, v32  }
0xe9: {  	v26 =	vadd.f32 v27, v26;
	v30 =	vor.u32 s6, v4;
	v27 =	vld [tilespmem:s31+$0x40]  }
0xea: {  	v29 =	vmul.f32 $8.999999760e-01, v29;
	v16 =	vmul.f32 $1.000000010e-01, v16;
	v31 =	vld.idx.msk [tilespmem:v61+s4+$0x0], $0xffff;
	v22 =	vadd.f32 v25, v22  }
0xeb: {  	[tilespmem:s25+$0xFFFFFFC0] =	vst v26;
	v25 =	vld [tilespmem:s26+$0x60]  }
0xec: {  	v14 =	vld.idx.msk [tilespmem:v14+s4+$0x0], $0xffff;
	v16 =	vadd.f32 v16, v29;
	[tilespmem:s11+$0x30] =	vst v22;
	v22 =	vmul.f32 $8.999999760e-01, v24;
	v23 =	vmul.f32 $1.000000010e-01, v23  }
0xed: {  	v24 =	vld [tilespmem:s17+$0x40]  }
0xee: {  	[tilespmem:s30+$0xFFFFFFB0] =	vst v16;
	v16 =	vld.idx.msk [tilespmem:v30+s4+$0x0], $0xffff;
	v22 =	vadd.f32 v23, v22  }
0xef: {  	v15 =	vld.idx.msk [tilespmem:v15+s4+$0x0], $0xffff;
	v23 =	vor.u32 s2, v5;
	v26 =	vmul.f32 $8.999999760e-01, v27;
	v27 =	vmul.f32 $1.000000010e-01, v31  }
0xf0: {  	v28 =	vmul.f32 $1.000000010e-01, v28;
	v29 =	vld [tilespmem:s31+$0xFFFFFFC0];
	v25 =	vmul.f32 $8.999999760e-01, v25;
	[tilespmem:s11+$0xFFFFFFB0] =	vst v22  }
0xf1: {  	v26 =	vadd.f32 v27, v26;
	v19 =	vld.idx.msk [tilespmem:v19+s4+$0x0], $0xffff  }
0xf2: {  	v21 =	vmul.f32 $8.999999760e-01, v21;
	v20 =	vmul.f32 $1.000000010e-01, v20;
	v25 =	vadd.f32 v28, v25;
	v27 =	vld [tilespmem:s17+$0xFFFFFFC0]  }
0xf3: {  	v28 =	vld [tilespmem:s26+$0xFFFFFFD0];
	[tilespmem:s30+$0x40] =	vst v26;
	v26 =	vor.u32 s6, v5;
	v24 =	vmul.f32 $8.999999760e-01, v24;
	v16 =	vmul.f32 $1.000000010e-01, v16  }
0xf4: {  	v20 =	vadd.f32 v20, v21;
	v23 =	vld.idx.msk [tilespmem:v23+s4+$0x0], $0xffff  }
0xf5: {  	v15 =	vmul.f32 $1.000000010e-01, v15;
	[tilespmem:s25+$0x60] =	vst v25;
	v25 =	vmul.f32 $8.999999760e-01, v29;
	v29 =	vld [tilespmem:s31+$0x50];
	v16 =	vadd.f32 v16, v24  }
0xf6: {  	[tilespmem:s23+$0xFFFFFFE0] =	vst v20;
	v17 =	vld [tilespmem:s28+$0xFFFFFFF0];
	v24 =	vor.u32 s7, v5  }
0xf7: {  	v9 =	vld.idx.msk [tilespmem:v9+s4+$0x0], $0xffff;
	v15 =	vadd.f32 v15, v25;
	[tilespmem:s11+$0x40] =	vst v16;
	v16 =	vmul.f32 $8.999999760e-01, v27;
	v19 =	vmul.f32 $1.000000010e-01, v19  }
0xf8: {  	v25 =	vld.idx.msk [tilespmem:v26+s4+$0x0], $0xffff  }
0xf9: {  	v14 =	vmul.f32 $1.000000010e-01, v14;
	v26 =	vmul.f32 $8.999999760e-01, v28;
	[tilespmem:s30+$0xFFFFFFC0] =	vst v15;
	v15 =	vld [tilespmem:s17+$0x50];
	v16 =	vadd.f32 v19, v16  }
0xfa: {  	v27 =	vmul.f32 $8.999999760e-01, v29;
	v23 =	vmul.f32 $1.000000010e-01, v23;
	v13 =	vld.idx.msk [tilespmem:v13+s4+$0x0], $0xffff  }
0xfb: {  	v19 =	vor.u32 s2, v6;
	v14 =	vadd.f32 v14, v26;
	v26 =	vld [tilespmem:s31+$0xFFFFFFD0];
	[tilespmem:s11+$0xFFFFFFC0] =	vst v16  }
0xfc: {  	v16 =	vadd.f32 v23, v27;
	v23 =	vld.idx.msk [tilespmem:v24+s4+$0x0], $0xffff  }
0xfd: {  	[tilespmem:s25+$0xFFFFFFD0] =	vst v14;
	v14 =	vld [tilespmem:s17+$0xFFFFFFD0]  }
0xfe: {  	v10 =	vld.idx.msk [tilespmem:v10+s4+$0x0], $0xffff;
	[tilespmem:s30+$0x50] =	vst v16;
	v16 =	vor.u32 s6, v6;
	v15 =	vmul.f32 $8.999999760e-01, v15;
	v24 =	vmul.f32 $1.000000010e-01, v25  }
0xff: {  	v20 =	vld [tilespmem:s26+$0xFFFFFFE0]  }
0x100: {  	v19 =	vld.idx.msk [tilespmem:v19+s4+$0x0], $0xffff;
	v13 =	vmul.f32 $1.000000010e-01, v13;
	v25 =	vmul.f32 $8.999999760e-01, v26;
	v15 =	vadd.f32 v24, v15  }
0x101: {  	v21 =	vld [tilespmem:s31+$0x60]  }
0x102: {  	v22 =	vor.u32 s29, v7;
	v30 =	vld [tilespmem:s26+$0x70];
	v13 =	vadd.f32 v13, v25;
	[tilespmem:s11+$0x50] =	vst v15  }
0x103: {  	v24 =	vor.u32 s7, v6;
	v14 =	vmul.f32 $8.999999760e-01, v14;
	v15 =	vmul.f32 $1.000000010e-01, v23;
	v16 =	vld.idx.msk [tilespmem:v16+s4+$0x0], $0xffff  }
0x104: {  	[tilespmem:s30+$0xFFFFFFD0] =	vst v13;
	v13 =	vld [tilespmem:s17+$0x60]  }
0x105: {  	v20 =	vmul.f32 $8.999999760e-01, v20;
	v10 =	vmul.f32 $1.000000010e-01, v10;
	v14 =	vadd.f32 v15, v14;
	v12 =	vld.idx.msk [tilespmem:v12+s4+$0x0], $0xffff  }
0x106: {  	v21 =	vmul.f32 $8.999999760e-01, v21;
	v19 =	vmul.f32 $1.000000010e-01, v19;
	v23 =	vld [tilespmem:s31+$0xFFFFFFE0]  }
0x107: {  	v22 =	vld.idx.msk [tilespmem:v22+s4+$0x0], $0xffff;
	v10 =	vadd.f32 v10, v20;
	[tilespmem:s11+$0xFFFFFFD0] =	vst v14  }
0x108: {  	v15 =	vor.u32 s2, v7;
	v14 =	vadd.f32 v19, v21;
	v19 =	vld.idx.msk [tilespmem:v24+s4+$0x0], $0xffff  }
0x109: {  	v20 =	vld [tilespmem:s17+$0xFFFFFFE0];
	[tilespmem:s25+$0xFFFFFFE0] =	vst v10  }
0x10a: {  	v21 =	vld [tilespmem:s24+$0xFFFFFFF0];
	[tilespmem:s30+$0x60] =	vst v14;
	v14 =	vor.u32 s6, v7;
	v16 =	vmul.f32 $1.000000010e-01, v16;
	v13 =	vmul.f32 $8.999999760e-01, v13  }
0x10b: {  	v8 =	vld.idx.msk [tilespmem:v8+s4+$0x0], $0xffff;
	v23 =	vmul.f32 $8.999999760e-01, v23;
	v12 =	vmul.f32 $1.000000010e-01, v12  }
0x10c: {  	v24 =	vld [tilespmem:s26+$0xFFFFFFF0];
	v13 =	vadd.f32 v16, v13  }
0x10d: {  	v15 =	vld.idx.msk [tilespmem:v15+s4+$0x0], $0xffff;
	v12 =	vadd.f32 v12, v23  }
0x10e: {  	v10 =	vld [tilespmem:s31+$0x70];
	v16 =	vor.u32 s7, v7;
	v19 =	vmul.f32 $1.000000010e-01, v19;
	[tilespmem:s11+$0x60] =	vst v13;
	v13 =	vmul.f32 $8.999999760e-01, v20  }
0x10f: {  	v14 =	vld.idx.msk [tilespmem:v14+s4+$0x0], $0xffff;
	[tilespmem:s30+$0xFFFFFFE0] =	vst v12  }
0x110: {  	v18 =	vmul.f32 $1.000000010e-01, v18;
	v17 =	vmul.f32 $8.999999760e-01, v17;
	v13 =	vadd.f32 v19, v13;
	v11 =	vld.idx.msk [tilespmem:v11+s4+$0x0], $0xffff  }
0x111: {  	v19 =	vld [tilespmem:s31+$0xFFFFFFF0]  }
0x112: {  	v9 =	vmul.f32 $1.000000010e-01, v9;
	v17 =	vadd.f32 v18, v17;
	v18 =	vmul.f32 $8.999999760e-01, v21;
	v12 =	vld [tilespmem:s17+$0x70];
	[tilespmem:s11+$0xFFFFFFE0] =	vst v13  }
0x113: {  	v20 =	vmul.f32 $1.000000010e-01, v22;
	v13 =	vmul.f32 $8.999999760e-01, v30;
	v16 =	vld.idx.msk [tilespmem:v16+s4+$0x0], $0xffff  }
0x114: {  	[tilespmem:s22+$0xFFFFFFF0] =	vst v17;
	v9 =	vadd.f32 v9, v18;
	v8 =	vmul.f32 $1.000000010e-01, v8;
	v17 =	vmul.f32 $8.999999760e-01, v24;
	v21 =	vld [tilespmem:s17+$0xFFFFFFF0]  }
0x115: {  	v10 =	vmul.f32 $8.999999760e-01, v10;
	v15 =	vmul.f32 $1.000000010e-01, v15;
	v13 =	vadd.f32 v20, v13  }
0x116: {  	[tilespmem:s23+$0xFFFFFFF0] =	vst v9;
	v8 =	vadd.f32 v8, v17;
	v9 =	vmul.f32 $1.000000010e-01, v11;
	v11 =	vmul.f32 $8.999999760e-01, v19  }
0x117: {  	v10 =	vadd.f32 v15, v10;
	v12 =	vmul.f32 $8.999999760e-01, v12;
	[tilespmem:s25+$0x70] =	vst v13;
	v13 =	vmul.f32 $1.000000010e-01, v14  }
0x118: {  	[tilespmem:s25+$0xFFFFFFF0] =	vst v8;
	v8 =	vadd.f32 v9, v11  }
0x119: {  	[tilespmem:s30+$0x70] =	vst v10;
	v10 =	vadd.f32 v13, v12;
	v12 =	vmul.f32 $1.000000010e-01, v16;
	v13 =	vmul.f32 $8.999999760e-01, v21;
	_ =	sdelay $0x1  }
0x11a: {  	[tilespmem:s30+$0xFFFFFFF0] =	vst v8;
	v9 =	vadd.f32 v12, v13  }
0x11b: {  	s0 =	sshll.u32 s0, $0x4;
	[tilespmem:s11+$0x70] =	vst v10  }
0x11c: {  	p1 =	seq.s32 s20, $0xD;
	s0 =	sadd.s32 s3, s0;
	[tilespmem:s11+$0xFFFFFFF0] =	vst v9  }
0x11d: {  	[hbm4b:s0+s4] =	stream.linear.scatter [tilespmem:s14], [sflag:$0x3], $0x5400, $0x38;
	[tilespmem:$0x15000] =	vst v63  }
0x11e: {  	s0 =	sadd.s32 @!p1 s21, s8  }
0x11f: {  	s0 =	sshll.u32 @!p1 s0, $0x4  }
0x120: {  	s2 =	simm.s32 @!p1 $0x0;
	s0 =	sadd.s32 @!p1 s1, s0  }
0x121: {  	[tilespmem:s2], [sflag:$0x1] =	stream.linear.gather @!p1 [hbm4b:s0+s2], $0x5400, $0x38;
	[tilespmem:$0x15000] =	vst v63  }
0x122: {  	s17 =	simm.s32 $0x80;
	_ =	swait.ge [sflag:s15], $0x5400  }
0x123: {  	v8 =	vor.u32 s17, v0;
	[sflag:s15] =	ssyncset.done $0x0  }
0x124: {  	s0 =	simm.s32 @!p0 $0x4;
	[sflag:s15] =	ssyncadd.s32 $0xFFFFAC00  }
0x125: {  	_ =	swait.ge @!p0 [sflag:s0], $0x5400  }
0x126: {  	[sflag:s0] =	ssyncset.done @!p0 $0x0  }
0x127: {  	[sflag:s0] =	ssyncadd.s32 @!p0 $0xFFFFAC00  }
0x128: {  	s28 =	simm.s32 $0x5480;
	v8 =	vld.idx.msk [tilespmem:v8+s12+$0x0], $0xffff  }
0x129: {  	v9 =	vld [tilespmem:s28+$0x0]  }
0x12a: {  	s0 =	simm.s32 $0x0  }
0x12b: {  	v10 =	vor.u32 s0, v0;
	_ =	sdelay $0x2  }
0x12c: {  	v9 =	vmul.f32 $8.999999760e-01, v9;
	v8 =	vmul.f32 $1.000000010e-01, v8  }
0x12d: {  	v11 =	vor.u32 s17, v1;
	v12 =	vld [tilespmem:s28+$0xFFFFFF80]  }
0x12e: {  	v10 =	vld.idx.msk [tilespmem:v10+s12+$0x0], $0xffff;
	v8 =	vadd.f32 v8, v9  }
0x12f: {  	s22 =	simm.s32 $0xFC80  }
0x130: {  	[tilespmem:s22+$0x0] =	vst v8  }
0x131: {  	v8 =	vld [tilespmem:s28+$0x10]  }
0x132: {  	v9 =	vld.idx.msk [tilespmem:v11+s12+$0x0], $0xffff  }
0x133: {  	v12 =	vmul.f32 $8.999999760e-01, v12;
	v11 =	vor.u32 s0, v1;
	v10 =	vmul.f32 $1.000000010e-01, v10;
	_ =	sdelay $0x1  }
0x134: {  	v10 =	vadd.f32 v10, v12;
	_ =	sdelay $0x1  }
0x135: {  	[tilespmem:s22+$0xFFFFFF80] =	vst v10;
	v10 =	vor.u32 s17, v2;
	v8 =	vmul.f32 $8.999999760e-01, v8;
	v9 =	vmul.f32 $1.000000010e-01, v9  }
0x136: {  	v11 =	vld.idx.msk [tilespmem:v11+s12+$0x0], $0xffff  }
0x137: {  	v12 =	vld [tilespmem:s28+$0xFFFFFF90];
	v8 =	vadd.f32 v9, v8;
	_ =	sdelay $0x1  }
0x138: {  	[tilespmem:s22+$0x10] =	vst v8  }
0x139: {  	v8 =	vld.idx.msk [tilespmem:v10+s12+$0x0], $0xffff  }
0x13a: {  	v9 =	vld [tilespmem:s28+$0x20]  }
0x13b: {  	s6 =	simm.s32 $0x180;
	v10 =	vor.u32 s0, v2;
	v12 =	vmul.f32 $8.999999760e-01, v12;
	v11 =	vmul.f32 $1.000000010e-01, v11  }
0x13c: {  	v13 =	vor.u32 s6, v0  }
0x13d: {  	v11 =	vadd.f32 v11, v12;
	_ =	sdelay $0x1  }
0x13e: {  	[tilespmem:s22+$0xFFFFFF90] =	vst v11;
	v11 =	vor.u32 s17, v3;
	v9 =	vmul.f32 $8.999999760e-01, v9;
	v8 =	vmul.f32 $1.000000010e-01, v8  }
0x13f: {  	v10 =	vld.idx.msk [tilespmem:v10+s12+$0x0], $0xffff  }
0x140: {  	s24 =	simm.s32 $0x5580;
	v8 =	vadd.f32 v8, v9;
	v9 =	vld.idx.msk [tilespmem:v13+s12+$0x0], $0xffff  }
0x141: {  	s7 =	simm.s32 $0x100;
	v13 =	vld [tilespmem:s24+$0x0]  }
0x142: {  	v12 =	vor.u32 s7, v0;
	v14 =	vld [tilespmem:s28+$0xFFFFFFA0];
	[tilespmem:s22+$0x20] =	vst v8  }
0x143: {  	v8 =	vld.idx.msk [tilespmem:v11+s12+$0x0], $0xffff  }
0x144: {  	v11 =	vld [tilespmem:s28+$0x30];
	_ =	sdelay $0x1  }
0x145: {  	v16 =	vld [tilespmem:s24+$0xFFFFFF80];
	v13 =	vmul.f32 $8.999999760e-01, v13;
	v9 =	vmul.f32 $1.000000010e-01, v9  }
0x146: {  	v17 =	vor.u32 s6, v1;
	v15 =	vor.u32 s0, v3;
	v12 =	vld.idx.msk [tilespmem:v12+s12+$0x0], $0xffff  }
0x147: {  	v14 =	vmul.f32 $8.999999760e-01, v14;
	v10 =	vmul.f32 $1.000000010e-01, v10;
	v9 =	vadd.f32 v9, v13  }
0x148: {  	s23 =	simm.s32 $0xFD80;
	v11 =	vmul.f32 $8.999999760e-01, v11;
	v8 =	vmul.f32 $1.000000010e-01, v8  }
0x149: {  	v10 =	vadd.f32 v10, v14;
	v13 =	vor.u32 s17, v4;
	[tilespmem:s23+$0x0] =	vst v9  }
0x14a: {  	v8 =	vadd.f32 v8, v11;
	v9 =	vld [tilespmem:s24+$0x10]  }
0x14b: {  	v12 =	vmul.f32 $1.000000010e-01, v12;
	[tilespmem:s22+$0xFFFFFFA0] =	vst v10;
	v10 =	vmul.f32 $8.999999760e-01, v16;
	v11 =	vor.u32 s7, v1;
	v14 =	vld.idx.msk [tilespmem:v17+s12+$0x0], $0xffff  }
0x14c: {  	v15 =	vld.idx.msk [tilespmem:v15+s12+$0x0], $0xffff;
	[tilespmem:s22+$0x30] =	vst v8  }
0x14d: {  	v8 =	vadd.f32 v12, v10;
	v10 =	vld [tilespmem:s28+$0x40]  }
0x14e: {  	v12 =	vld.idx.msk [tilespmem:v13+s12+$0x0], $0xffff  }
0x14f: {  	v13 =	vld [tilespmem:s28+$0xFFFFFFB0];
	[tilespmem:s23+$0xFFFFFF80] =	vst v8  }
0x150: {  	v8 =	vld.idx.msk [tilespmem:v11+s12+$0x0], $0xffff;
	v9 =	vmul.f32 $8.999999760e-01, v9;
	v11 =	vmul.f32 $1.000000010e-01, v14;
	v14 =	vor.u32 s6, v2  }
0x151: {  	v16 =	vld [tilespmem:s24+$0xFFFFFF90]  }
0x152: {  	v9 =	vadd.f32 v11, v9  }
0x153: {  	v11 =	vor.u32 s17, v5;
	v10 =	vmul.f32 $8.999999760e-01, v10;
	v12 =	vmul.f32 $1.000000010e-01, v12  }
0x154: {  	[tilespmem:s23+$0x10] =	vst v9  }
0x155: {  	v9 =	vmul.f32 $8.999999760e-01, v13;
	v13 =	vmul.f32 $1.000000010e-01, v15;
	v10 =	vadd.f32 v12, v10;
	v12 =	vld.idx.msk [tilespmem:v14+s12+$0x0], $0xffff  }
0x156: {  	v14 =	vor.u32 s7, v2;
	v15 =	vmul.f32 $8.999999760e-01, v16;
	v8 =	vmul.f32 $1.000000010e-01, v8;
	v16 =	vld [tilespmem:s24+$0x20]  }
0x157: {  	v9 =	vadd.f32 v13, v9;
	[tilespmem:s22+$0x40] =	vst v10  }
0x158: {  	v17 =	vor.u32 s0, v4;
	v8 =	vadd.f32 v8, v15;
	v10 =	vld.idx.msk [tilespmem:v11+s12+$0x0], $0xffff  }
0x159: {  	s29 =	simm.s32 $0x280;
	s26 =	simm.s32 $0x5680;
	[tilespmem:s22+$0xFFFFFFB0] =	vst v9;
	v9 =	vld [tilespmem:s28+$0x50]  }
0x15a: {  	v19 =	vld [tilespmem:s26+$0x0];
	v11 =	vor.u32 s29, v0;
	[tilespmem:s23+$0xFFFFFF90] =	vst v8  }
0x15b: {  	v15 =	vor.u32 s6, v3;
	v8 =	vld.idx.msk [tilespmem:v14+s12+$0x0], $0xffff;
	v14 =	vmul.f32 $8.999999760e-01, v16;
	v12 =	vmul.f32 $1.000000010e-01, v12  }
0x15c: {  	s11 =	simm.s32 $0x200;
	v16 =	vld [tilespmem:s24+$0xFFFFFFA0]  }
0x15d: {  	v18 =	vor.u32 s11, v0;
	v13 =	vld.idx.msk [tilespmem:v17+s12+$0x0], $0xffff;
	v12 =	vadd.f32 v12, v14  }
0x15e: {  	v17 =	vld [tilespmem:s28+$0xFFFFFFC0];
	v9 =	vmul.f32 $8.999999760e-01, v9;
	v10 =	vmul.f32 $1.000000010e-01, v10  }
0x15f: {  	v14 =	vor.u32 s17, v6;
	v11 =	vld.idx.msk [tilespmem:v11+s12+$0x0], $0xffff;
	[tilespmem:s23+$0x20] =	vst v12  }
0x160: {  	v9 =	vadd.f32 v10, v9;
	v10 =	vld.idx.msk [tilespmem:v15+s12+$0x0], $0xffff  }
0x161: {  	v12 =	vor.u32 s7, v3;
	v15 =	vmul.f32 $8.999999760e-01, v16;
	v8 =	vmul.f32 $1.000000010e-01, v8;
	v16 =	vld [tilespmem:s24+$0x30]  }
0x162: {  	v20 =	vor.u32 s0, v5;
	v18 =	vld.idx.msk [tilespmem:v18+s12+$0x0], $0xffff  }
0x163: {  	v13 =	vmul.f32 $1.000000010e-01, v13;
	[tilespmem:s22+$0x50] =	vst v9;
	v9 =	vmul.f32 $8.999999760e-01, v17;
	v8 =	vadd.f32 v8, v15;
	v15 =	vld [tilespmem:s26+$0xFFFFFF80]  }
0x164: {  	v17 =	vmul.f32 $8.999999760e-01, v19;
	v14 =	vld.idx.msk [tilespmem:v14+s12+$0x0], $0xffff;
	v11 =	vmul.f32 $1.000000010e-01, v11  }
0x165: {  	v9 =	vadd.f32 v13, v9;
	v13 =	vld [tilespmem:s28+$0x60];
	[tilespmem:s23+$0xFFFFFFA0] =	vst v8;
	v8 =	vor.u32 s29, v1  }
0x166: {  	v12 =	vld.idx.msk [tilespmem:v12+s12+$0x0], $0xffff;
	v11 =	vadd.f32 v11, v17;
	v16 =	vmul.f32 $8.999999760e-01, v16;
	v10 =	vmul.f32 $1.000000010e-01, v10  }
0x167: {  	s25 =	simm.s32 $0xFE80;
	v17 =	vor.u32 s6, v4;
	[tilespmem:s22+$0xFFFFFFC0] =	vst v9;
	v9 =	vld [tilespmem:s24+$0xFFFFFFB0]  }
0x168: {  	v19 =	vld.idx.msk [tilespmem:v20+s12+$0x0], $0xffff;
	[tilespmem:s25+$0x0] =	vst v11;
	v10 =	vadd.f32 v10, v16  }
0x169: {  	v11 =	vor.u32 s11, v1;
	v16 =	vmul.f32 $1.000000010e-01, v18;
	v15 =	vmul.f32 $8.999999760e-01, v15;
	v18 =	vld [tilespmem:s26+$0x10]  }
0x16a: {  	v20 =	vor.u32 s17, v7;
	v8 =	vld.idx.msk [tilespmem:v8+s12+$0x0], $0xffff;
	[tilespmem:s23+$0x30] =	vst v10  }
0x16b: {  	v10 =	vmul.f32 $8.999999760e-01, v13;
	v13 =	vmul.f32 $1.000000010e-01, v14;
	v14 =	vadd.f32 v16, v15;
	v15 =	vld [tilespmem:s24+$0x40]  }
0x16c: {  	v12 =	vmul.f32 $1.000000010e-01, v12;
	v16 =	vld.idx.msk [tilespmem:v17+s12+$0x0], $0xffff  }
0x16d: {  	v21 =	vld [tilespmem:s28+$0xFFFFFFD0];
	v17 =	vor.u32 s7, v4;
	v9 =	vmul.f32 $8.999999760e-01, v9;
	v10 =	vadd.f32 v13, v10;
	[tilespmem:s25+$0xFFFFFF80] =	vst v14  }
0x16e: {  	v13 =	vor.u32 s29, v2;
	v11 =	vld.idx.msk [tilespmem:v11+s12+$0x0], $0xffff  }
0x16f: {  	v9 =	vadd.f32 v12, v9;
	[tilespmem:s22+$0x60] =	vst v10;
	v10 =	vld [tilespmem:s26+$0xFFFFFF90];
	v12 =	vmul.f32 $8.999999760e-01, v18;
	v8 =	vmul.f32 $1.000000010e-01, v8  }
0x170: {  	v18 =	vor.u32 s6, v5;
	v14 =	vld.idx.msk [tilespmem:v20+s12+$0x0], $0xffff  }
0x171: {  	v20 =	vld [tilespmem:s28+$0x70];
	[tilespmem:s23+$0xFFFFFFB0] =	vst v9;
	v9 =	vmul.f32 $8.999999760e-01, v15;
	v8 =	vadd.f32 v8, v12;
	v12 =	vmul.f32 $1.000000010e-01, v16  }
0x172: {  	v19 =	vmul.f32 $1.000000010e-01, v19;
	v16 =	vld.idx.msk [tilespmem:v17+s12+$0x0], $0xffff  }
0x173: {  	v15 =	vor.u32 s0, v6;
	v17 =	vmul.f32 $8.999999760e-01, v21;
	v21 =	vld [tilespmem:s24+$0xFFFFFFC0];
	[tilespmem:s25+$0x10] =	vst v8;
	v8 =	vadd.f32 v12, v9  }
0x174: {  	v11 =	vmul.f32 $1.000000010e-01, v11;
	v9 =	vor.u32 s11, v2;
	v10 =	vmul.f32 $8.999999760e-01, v10;
	v12 =	vld.idx.msk [tilespmem:v13+s12+$0x0], $0xffff  }
0x175: {  	v13 =	vadd.f32 v19, v17;
	v17 =	vld [tilespmem:s26+$0x20];
	[tilespmem:s23+$0x40] =	vst v8  }
0x176: {  	s17 =	simm.s32 $0x300;
	v8 =	vadd.f32 v11, v10;
	v10 =	vld.idx.msk [tilespmem:v18+s12+$0x0], $0xffff  }
0x177: {  	v11 =	vor.u32 s17, v0;
	[tilespmem:s22+$0xFFFFFFD0] =	vst v13;
	v13 =	vld [tilespmem:s24+$0x50]  }
0x178: {  	s2 =	simm.s32 $0x380;
	v18 =	vld.idx.msk [tilespmem:v15+s12+$0x0], $0xffff;
	[tilespmem:s25+$0xFFFFFF90] =	vst v8  }
0x179: {  	v15 =	vor.u32 s2, v0;
	v8 =	vld.idx.msk [tilespmem:v9+s12+$0x0], $0xffff  }
0x17a: {  	v19 =	vor.u32 s29, v3;
	v9 =	vld [tilespmem:s26+$0xFFFFFFA0];
	v17 =	vmul.f32 $8.999999760e-01, v17;
	v12 =	vmul.f32 $1.000000010e-01, v12  }
0x17b: {  	v23 =	vor.u32 s6, v6;
	v22 =	vld [tilespmem:s28+$0xFFFFFFE0]  }
0x17c: {  	s31 =	simm.s32 $0x5780;
	v11 =	vld.idx.msk [tilespmem:v11+s12+$0x0], $0xffff;
	v12 =	vadd.f32 v12, v17;
	v13 =	vmul.f32 $8.999999760e-01, v13;
	v10 =	vmul.f32 $1.000000010e-01, v10  }
0x17d: {  	v17 =	vld [tilespmem:s31+$0x0]  }
0x17e: {  	v15 =	vld.idx.msk [tilespmem:v15+s12+$0x0], $0xffff;
	[tilespmem:s25+$0x20] =	vst v12;
	v10 =	vadd.f32 v10, v13  }
0x17f: {  	v12 =	vor.u32 s11, v3;
	v9 =	vmul.f32 $8.999999760e-01, v9;
	v8 =	vmul.f32 $1.000000010e-01, v8;
	v13 =	vld.idx.msk [tilespmem:v19+s12+$0x0], $0xffff  }
0x180: {  	v16 =	vmul.f32 $1.000000010e-01, v16;
	v24 =	vld [tilespmem:s26+$0x30];
	[tilespmem:s23+$0x50] =	vst v10  }
0x181: {  	v19 =	vor.u32 s7, v5;
	v10 =	vmul.f32 $8.999999760e-01, v21;
	v8 =	vadd.f32 v8, v9;
	v9 =	vld.idx.msk [tilespmem:v23+s12+$0x0], $0xffff  }
0x182: {  	v21 =	vld [tilespmem:s24+$0x60]  }
0x183: {  	v17 =	vmul.f32 $8.999999760e-01, v17;
	v10 =	vadd.f32 v16, v10;
	v16 =	vld [tilespmem:s31+$0xFFFFFF80];
	v15 =	vmul.f32 $1.000000010e-01, v15;
	[tilespmem:s25+$0xFFFFFFA0] =	vst v8  }
0x184: {  	v8 =	vor.u32 s2, v1;
	v12 =	vld.idx.msk [tilespmem:v12+s12+$0x0], $0xffff  }
0x185: {  	[tilespmem:s23+$0xFFFFFFC0] =	vst v10;
	v10 =	vadd.f32 v15, v17;
	v15 =	vld [tilespmem:s26+$0xFFFFFFB0];
	v17 =	vmul.f32 $8.999999760e-01, v24;
	v13 =	vmul.f32 $1.000000010e-01, v13  }
0x186: {  	v63 =	vor.u32 s29, v5;
	s30 =	simm.s32 $0xFF80;
	v23 =	vor.u32 s29, v4;
	v24 =	vor.u32 s6, v7;
	v19 =	vld.idx.msk [tilespmem:v19+s12+$0x0], $0xffff  }
0x187: {  	[tilespmem:s30+$0x0] =	vst v10;
	v10 =	vadd.f32 v13, v17;
	v13 =	vld [tilespmem:s24+$0xFFFFFFD0];
	v17 =	vmul.f32 $8.999999760e-01, v21;
	v21 =	vmul.f32 $1.000000010e-01, v9  }
0x188: {  	v26 =	vor.u32 s7, v6;
	v27 =	vor.u32 s17, v1;
	v22 =	vmul.f32 $8.999999760e-01, v22;
	v28 =	vld [tilespmem:s31+$0x10]  }
0x189: {  	v11 =	vmul.f32 $1.000000010e-01, v11;
	v16 =	vmul.f32 $8.999999760e-01, v16;
	v29 =	vld.idx.msk [tilespmem:v8+s12+$0x0], $0xffff;
	[tilespmem:s25+$0x30] =	vst v10;
	v8 =	vadd.f32 v21, v17  }
0x18a: {  	v18 =	vmul.f32 $1.000000010e-01, v18;
	v21 =	vor.u32 s11, v4;
	v17 =	vmul.f32 $8.999999760e-01, v20;
	v30 =	vld [tilespmem:s26+$0x40]  }
0x18b: {  	v12 =	vmul.f32 $1.000000010e-01, v12;
	v11 =	vadd.f32 v11, v16;
	v15 =	vmul.f32 $8.999999760e-01, v15;
	v23 =	vld.idx.msk [tilespmem:v23+s12+$0x0], $0xffff;
	[tilespmem:s23+$0x60] =	vst v8  }
0x18c: {  	v25 =	vor.u32 s0, v7;
	v20 =	vmul.f32 $1.000000010e-01, v14;
	v16 =	vmul.f32 $1.000000010e-01, v19;
	v19 =	vld.idx.msk [tilespmem:v24+s12+$0x0], $0xffff  }
0x18d: {  	v18 =	vadd.f32 v18, v22;
	v13 =	vmul.f32 $8.999999760e-01, v13;
	[tilespmem:s30+$0xFFFFFF80] =	vst v11;
	v11 =	vadd.f32 v12, v15;
	v12 =	vld [tilespmem:s24+$0x70]  }
0x18e: {  	v9 =	vor.u32 s7, v7;
	v24 =	vadd.f32 v20, v17;
	v27 =	vld.idx.msk [tilespmem:v27+s12+$0x0], $0xffff;
	v20 =	vmul.f32 $8.999999760e-01, v28  }
0x18f: {  	s6 =	simm.s32 $0x480;
	s7 =	simm.s32 $0x400;
	v28 =	vmul.f32 $1.000000010e-01, v29;
	v29 =	vor.u32 s2, v2;
	v13 =	vadd.f32 v16, v13;
	[tilespmem:s25+$0xFFFFFFB0] =	vst v11;
	v11 =	vld [tilespmem:s31+$0xFFFFFF90]  }
0x190: {  	v34 =	vor.u32 s6, v0;
	v33 =	vor.u32 s7, v0;
	v32 =	vor.u32 s7, v2;
	v62 =	vld.idx.msk [tilespmem:v21+s12+$0x0], $0xffff  }
0x191: {  	v21 =	vadd.f32 v28, v20;
	v28 =	vld [tilespmem:s26+$0xFFFFFFC0];
	v30 =	vmul.f32 $8.999999760e-01, v30;
	v23 =	vmul.f32 $1.000000010e-01, v23;
	[tilespmem:s23+$0xFFFFFFD0] =	vst v13  }
0x192: {  	v14 =	vor.u32 s11, v5;
	v10 =	vor.u32 s11, v6;
	v8 =	vor.u32 s11, v7;
	v20 =	vld.idx.msk [tilespmem:v26+s12+$0x0], $0xffff  }
0x193: {  	v26 =	vmul.f32 $8.999999760e-01, v12;
	v19 =	vmul.f32 $1.000000010e-01, v19;
	[tilespmem:s30+$0x10] =	vst v21;
	v23 =	vadd.f32 v23, v30;
	v21 =	vld [tilespmem:s24+$0xFFFFFFE0]  }
0x194: {  	v17 =	vor.u32 s17, v2;
	[tilespmem:s22+$0x70] =	vst v24;
	v24 =	vmul.f32 $1.000000010e-01, v27;
	v30 =	vld.idx.msk [tilespmem:v29+s12+$0x0], $0xffff;
	v22 =	vmul.f32 $8.999999760e-01, v11  }
0x195: {  	v15 =	vor.u32 s17, v4;
	v16 =	vor.u32 s17, v3;
	v31 =	vld [tilespmem:s31+$0x20];
	v19 =	vadd.f32 v19, v26;
	[tilespmem:s25+$0x40] =	vst v23  }
0x196: {  	[tilespmem:s22+$0xFFFFFFE0] =	vst v18;
	v13 =	vor.u32 s17, v5;
	v26 =	vmul.f32 $8.999999760e-01, v28;
	v28 =	vld.idx.msk [tilespmem:v63+s12+$0x0], $0xffff;
	v18 =	vadd.f32 v24, v22  }
0x197: {  	v12 =	vor.u32 s17, v6;
	v11 =	vor.u32 s17, v7;
	v27 =	vmul.f32 $1.000000010e-01, v62;
	v29 =	vld [tilespmem:s26+$0x50];
	[tilespmem:s23+$0x70] =	vst v19  }
0x198: {  	s0 =	sadd.s32 s21, s9;
	s11 =	simm.s32 $0xA;
	v23 =	vor.u32 s7, v1;
	v24 =	vor.u32 s7, v3;
	v19 =	vor.u32 s7, v4;
	[tilespmem:s30+$0xFFFFFF90] =	vst v18;
	v18 =	vld.idx.msk [tilespmem:v25+s12+$0x0], $0xffff  }
.LBB2_5:
0x199: {  	p0 =	slt.u32 s11, $0xA6;
	v35 =	vor.u32 s7, v5;
	v25 =	vor.u32 s7, v6;
	v36 =	vld.idx.msk [tilespmem:v17+s12+$0x0], $0xffff;
	v26 =	vadd.f32 v27, v26;
	v22 =	vmovc v11;
	v17 =	vmovc v32  }
0x19a: {  	v30 =	vmul.f32 $1.000000010e-01, v30;
	v27 =	vld [tilespmem:s31+$0xFFFFFFA0];
	v11 =	vmul.f32 $8.999999760e-01, v31;
	v31 =	vor.u32 s2, v3  }
0x19b: {  	v21 =	vmul.f32 $8.999999760e-01, v21;
	v20 =	vmul.f32 $1.000000010e-01, v20;
	[tilespmem:s25+$0xFFFFFFC0] =	vst v26;
	v26 =	vor.u32 s29, v6;
	v32 =	vld [tilespmem:s28+$0xFFFFFFF0];
	s28 =	smov.u32 s24;
	s24 =	smov.u32 s26;
	s26 =	smov.u32 s31  }
0x19c: {  	v28 =	vmul.f32 $1.000000010e-01, v28;
	v33 =	vld.idx.msk [tilespmem:v33+s12+$0x0], $0xffff;
	v30 =	vadd.f32 v30, v11;
	v29 =	vmul.f32 $8.999999760e-01, v29  }
0x19d: {  	s31 =	sadd.s32 $0x100, s31;
	v20 =	vadd.f32 v20, v21;
	v11 =	vor.u32 s7, v7;
	v34 =	vld.idx.msk [tilespmem:v34+s12+$0x0], $0xffff  }
0x19e: {  	v18 =	vmul.f32 $1.000000010e-01, v18;
	v21 =	vld [tilespmem:s31+$0x0];
	[tilespmem:s30+$0x20] =	vst v30;
	v28 =	vadd.f32 v28, v29  }
0x19f: {  	v29 =	vmul.f32 $1.000000010e-01, v36;
	v27 =	vmul.f32 $8.999999760e-01, v27;
	v30 =	vld.idx.msk [tilespmem:v31+s12+$0x0], $0xffff;
	[tilespmem:s23+$0xFFFFFFE0] =	vst v20  }
0x1a0: {  	v20 =	vld [tilespmem:s26+$0x30];
	[tilespmem:s25+$0x50] =	vst v28;
	v28 =	vmul.f32 $8.999999760e-01, v32  }
0x1a1: {  	v27 =	vadd.f32 v29, v27;
	v26 =	vld.idx.msk [tilespmem:v26+s12+$0x0], $0xffff  }
0x1a2: {  	v29 =	vmul.f32 $1.000000010e-01, v33;
	v31 =	vld [tilespmem:s24+$0x60];
	v18 =	vadd.f32 v18, v28  }
0x1a3: {  	v32 =	vmul.f32 $1.000000010e-01, v34;
	v28 =	vld [tilespmem:s31+$0xFFFFFF80];
	v21 =	vmul.f32 $8.999999760e-01, v21;
	[tilespmem:s30+$0xFFFFFFA0] =	vst v27  }
0x1a4: {  	v27 =	vor.u32 s6, v1;
	v33 =	vld.idx.msk [tilespmem:v16+s12+$0x0], $0xffff;
	[tilespmem:s22+$0xFFFFFFF0] =	vst v18;
	v16 =	vmov v24;
	s22 =	smov.u32 s23;
	s23 =	smov.u32 s25;
	s25 =	smov.u32 s30  }
0x1a5: {  	v24 =	vmul.f32 $1.000000010e-01, v30;
	v18 =	vadd.f32 v32, v21;
	v21 =	vld [tilespmem:s26+$0xFFFFFFB0];
	v20 =	vmul.f32 $8.999999760e-01, v20  }
0x1a6: {  	v34 =	vor.u32 s29, v7;
	s29 =	smov.u32 s2;
	v30 =	vor.u32 s2, v4;
	s30 =	sadd.s32 $0x100, s30;
	s2 =	smov.u32 s6;
	v32 =	vld.idx.msk [tilespmem:v14+s12+$0x0], $0xffff;
	v14 =	vmovc v13;
	v13 =	vmov v35  }
0x1a7: {  	v26 =	vmul.f32 $1.000000010e-01, v26;
	[tilespmem:s30+$0x0] =	vst v18;
	v18 =	vadd.f32 v24, v20;
	v20 =	vld [tilespmem:s24+$0xFFFFFFD0];
	v24 =	vmul.f32 $8.999999760e-01, v31  }
0x1a8: {  	v28 =	vmul.f32 $8.999999760e-01, v28;
	v31 =	vld [tilespmem:s31+$0x10]  }
0x1a9: {  	v27 =	vld.idx.msk [tilespmem:v27+s12+$0x0], $0xffff;
	[tilespmem:s25+$0x30] =	vst v18;
	v18 =	vadd.f32 v26, v24  }
0x1aa: {  	v26 =	vmul.f32 $1.000000010e-01, v33;
	v24 =	vadd.f32 v29, v28;
	v21 =	vmul.f32 $8.999999760e-01, v21;
	v28 =	vld [tilespmem:s26+$0x40]  }
0x1ab: {  	v29 =	vld.idx.msk [tilespmem:v30+s12+$0x0], $0xffff;
	[tilespmem:s23+$0x60] =	vst v18  }
0x1ac: {  	[tilespmem:s30+$0xFFFFFF80] =	vst v24;
	v18 =	vadd.f32 v26, v21;
	v20 =	vmul.f32 $8.999999760e-01, v20;
	v21 =	vmul.f32 $1.000000010e-01, v32;
	v24 =	vld.idx.msk [tilespmem:v34+s12+$0x0], $0xffff  }
0x1ad: {  	v26 =	vld [tilespmem:s24+$0x70]  }
0x1ae: {  	v23 =	vld.idx.msk [tilespmem:v23+s12+$0x0], $0xffff;
	[tilespmem:s25+$0xFFFFFFB0] =	vst v18;
	v18 =	vadd.f32 v21, v20  }
0x1af: {  	v20 =	vmul.f32 $8.999999760e-01, v31;
	v21 =	vmul.f32 $1.000000010e-01, v27;
	v27 =	vor.u32 s2, v2;
	v30 =	vld [tilespmem:s31+$0xFFFFFF90]  }
0x1b0: {  	v33 =	vor.u32 s29, v5;
	v32 =	vld.idx.msk [tilespmem:v15+s12+$0x0], $0xffff;
	[tilespmem:s23+$0xFFFFFFD0] =	vst v18;
	v15 =	vmov v19  }
0x1b1: {  	v18 =	vadd.f32 v21, v20;
	v21 =	vmul.f32 $8.999999760e-01, v28;
	v28 =	vmul.f32 $1.000000010e-01, v29;
	v19 =	vld [tilespmem:s26+$0xFFFFFFC0]  }
0x1b2: {  	v24 =	vmul.f32 $1.000000010e-01, v24;
	v20 =	vld.idx.msk [tilespmem:v10+s12+$0x0], $0xffff;
	v26 =	vmul.f32 $8.999999760e-01, v26;
	v10 =	vmovc v12;
	v12 =	vmov v25  }
0x1b3: {  	[tilespmem:s30+$0x10] =	vst v18;
	v18 =	vadd.f32 v28, v21;
	v21 =	vld [tilespmem:s24+$0xFFFFFFE0]  }
.Ltmp3:
0x1b4: {  	v23 =	vmul.f32 $1.000000010e-01, v23;
	v25 =	vmul.f32 $8.999999760e-01, v30;
	v30 =	vld.idx.msk [tilespmem:v27+s12+$0x0], $0xffff;
	v24 =	vadd.f32 v24, v26;
	(pc) =	sbr.rel @p0 .LBB2_5-.Ltmp3, $4  }
0x1b5: {  	v31 =	vld [tilespmem:s31+$0x20];
	[tilespmem:s25+$0x40] =	vst v18  }
0x1b6: {  	s7 =	sshll.u32 s11, $0x7;
	v27 =	vmul.f32 $1.000000010e-01, v32;
	v18 =	vadd.f32 v23, v25;
	v26 =	vmul.f32 $8.999999760e-01, v19;
	v28 =	vld.idx.msk [tilespmem:v33+s12+$0x0], $0xffff;
	[tilespmem:s23+$0x70] =	vst v24  }
0x1b7: {  	s6 =	sadd.s32 $0x80, s7;
	v32 =	vor.u32 s7, v2;
	v33 =	vor.u32 s7, v0;
	v23 =	vor.u32 s7, v1;
	v29 =	vld [tilespmem:s26+$0x50]  }
0x1b8: {  	s11 =	sadd.s32 $0x2, s11;
	v34 =	vor.u32 s6, v0;
	v24 =	vor.u32 s7, v3;
	v19 =	vor.u32 s7, v4;
	[tilespmem:s30+$0xFFFFFF90] =	vst v18;
	v18 =	vld.idx.msk [tilespmem:v9+s12+$0x0], $0xffff;
	v9 =	vmovc v8;
	v8 =	vmovc v22  }
0x1b9: {  	_ =	sdelay $0x3  }
0x1ba: {  	v22 =	vld.idx.msk [tilespmem:v34+s12+$0x0], $0xffff;
	s17 =	sadd.s32 $0x100, s31  }
0x1bb: {  	v25 =	vld [tilespmem:s17+$0x0]  }
0x1bc: {  	v33 =	vld.idx.msk [tilespmem:v33+s12+$0x0], $0xffff  }
0x1bd: {  	v63 =	vld [tilespmem:s17+$0xFFFFFF80];
	_ =	sdelay $0x2  }
0x1be: {  	v22 =	vmul.f32 $1.000000010e-01, v22;
	v25 =	vmul.f32 $8.999999760e-01, v25  }
0x1bf: {  	v35 =	vor.u32 s6, v1  }
0x1c0: {  	v36 =	vmul.f32 $1.000000010e-01, v33;
	v37 =	vmul.f32 $8.999999760e-01, v63;
	v22 =	vadd.f32 v22, v25  }
0x1c1: {  	s11 =	sadd.s32 $0x100, s30  }
0x1c2: {  	[tilespmem:s11+$0x0] =	vst v22;
	v22 =	vadd.f32 v36, v37  }
0x1c3: {  	v38 =	vld [tilespmem:s17+$0x10]  }
0x1c4: {  	v39 =	vld.idx.msk [tilespmem:v35+s12+$0x0], $0xffff;
	[tilespmem:s11+$0xFFFFFF80] =	vst v22  }
0x1c5: {  	v22 =	vld.idx.msk [tilespmem:v23+s12+$0x0], $0xffff  }
0x1c6: {  	v40 =	vld [tilespmem:s17+$0xFFFFFF90];
	_ =	sdelay $0x2  }
0x1c7: {  	v43 =	vor.u32 s6, v2;
	v41 =	vmul.f32 $8.999999760e-01, v38;
	v42 =	vmul.f32 $1.000000010e-01, v39  }
0x1c8: {  	v17 =	vld.idx.msk [tilespmem:v17+s12+$0x0], $0xffff  }
0x1c9: {  	v47 =	vld [tilespmem:s31+$0xFFFFFFA0];
	v25 =	vadd.f32 v42, v41;
	v23 =	vmul.f32 $8.999999760e-01, v40;
	v22 =	vmul.f32 $1.000000010e-01, v22;
	_ =	sdelay $0x1  }
0x1ca: {  	[tilespmem:s11+$0x10] =	vst v25;
	v22 =	vadd.f32 v22, v23  }
0x1cb: {  	v30 =	vmul.f32 $1.000000010e-01, v30;
	v46 =	vor.u32 s2, v3;
	v45 =	vmul.f32 $8.999999760e-01, v31;
	v25 =	vld.idx.msk [tilespmem:v43+s12+$0x0], $0xffff  }
0x1cc: {  	v44 =	vld [tilespmem:s17+$0x20];
	[tilespmem:s11+$0xFFFFFF90] =	vst v22  }
0x1cd: {  	v48 =	vadd.f32 v30, v45;
	v53 =	vmul.f32 $8.999999760e-01, v47;
	v54 =	vmul.f32 $1.000000010e-01, v17;
	v49 =	vld.idx.msk [tilespmem:v32+s12+$0x0], $0xffff  }
0x1ce: {  	v50 =	vld [tilespmem:s17+$0xFFFFFFA0]  }
0x1cf: {  	[tilespmem:s30+$0x20] =	vst v48;
	v56 =	vadd.f32 v54, v53  }
0x1d0: {  	v31 =	vld.idx.msk [tilespmem:v46+s12+$0x0], $0xffff  }
0x1d1: {  	v52 =	vor.u32 s6, v3;
	v55 =	vld [tilespmem:s31+$0x30];
	[tilespmem:s30+$0xFFFFFFA0] =	vst v56;
	v51 =	vmul.f32 $8.999999760e-01, v44;
	v25 =	vmul.f32 $1.000000010e-01, v25  }
0x1d2: {  	v26 =	vadd.f32 v27, v26;
	v16 =	vld.idx.msk [tilespmem:v16+s12+$0x0], $0xffff  }
0x1d3: {  	v61 =	vld [tilespmem:s31+$0xFFFFFFB0];
	v22 =	vadd.f32 v25, v51;
	v57 =	vmul.f32 $8.999999760e-01, v50;
	v23 =	vmul.f32 $1.000000010e-01, v49  }
0x1d4: {  	v58 =	vor.u32 s29, v6;
	[tilespmem:s25+$0xFFFFFFC0] =	vst v26  }
0x1d5: {  	v28 =	vmul.f32 $1.000000010e-01, v28;
	v29 =	vmul.f32 $8.999999760e-01, v29;
	v14 =	vld.idx.msk [tilespmem:v14+s12+$0x0], $0xffff;
	[tilespmem:s11+$0x20] =	vst v22;
	v22 =	vadd.f32 v23, v57  }
0x1d6: {  	v60 =	vmul.f32 $8.999999760e-01, v55;
	v31 =	vmul.f32 $1.000000010e-01, v31;
	v32 =	vld.idx.msk [tilespmem:v52+s12+$0x0], $0xffff  }
0x1d7: {  	v62 =	vor.u32 s2, v4;
	v28 =	vadd.f32 v28, v29;
	v59 =	vld [tilespmem:s17+$0x30];
	[tilespmem:s11+$0xFFFFFFA0] =	vst v22  }
0x1d8: {  	v63 =	vadd.f32 v31, v60;
	v29 =	vmul.f32 $8.999999760e-01, v61;
	v16 =	vmul.f32 $1.000000010e-01, v16;
	v34 =	vld.idx.msk [tilespmem:v24+s12+$0x0], $0xffff  }
0x1d9: {  	[tilespmem:s25+$0x50] =	vst v28;
	v35 =	vld [tilespmem:s17+$0xFFFFFFB0]  }
0x1da: {  	v28 =	vld.idx.msk [tilespmem:v58+s12+$0x0], $0xffff;
	[tilespmem:s30+$0x30] =	vst v63;
	v16 =	vadd.f32 v16, v29  }
0x1db: {  	v38 =	vld [tilespmem:s31+$0x40]  }
0x1dc: {  	v40 =	vld.idx.msk [tilespmem:v62+s12+$0x0], $0xffff;
	[tilespmem:s30+$0xFFFFFFB0] =	vst v16;
	v36 =	vmul.f32 $8.999999760e-01, v59;
	v37 =	vmul.f32 $1.000000010e-01, v32  }
0x1dd: {  	v39 =	vor.u32 s6, v4;
	v15 =	vld.idx.msk [tilespmem:v15+s12+$0x0], $0xffff  }
0x1de: {  	v48 =	vld [tilespmem:s31+$0xFFFFFFC0];
	v22 =	vadd.f32 v37, v36;
	v42 =	vmul.f32 $8.999999760e-01, v35;
	v23 =	vmul.f32 $1.000000010e-01, v34  }
0x1df: {  	v41 =	vld [tilespmem:s26+$0x60]  }
0x1e0: {  	v21 =	vmul.f32 $8.999999760e-01, v21;
	v20 =	vmul.f32 $1.000000010e-01, v20;
	v17 =	vld [tilespmem:s28+$0xFFFFFFF0];
	[tilespmem:s11+$0x30] =	vst v22;
	v22 =	vadd.f32 v23, v42  }
0x1e1: {  	v43 =	vld [tilespmem:s17+$0x40]  }
0x1e2: {  	v20 =	vadd.f32 v20, v21;
	v46 =	vmul.f32 $8.999999760e-01, v38;
	v47 =	vmul.f32 $1.000000010e-01, v40;
	v44 =	vld.idx.msk [tilespmem:v39+s12+$0x0], $0xffff;
	[tilespmem:s11+$0xFFFFFFB0] =	vst v22  }
0x1e3: {  	v53 =	vmul.f32 $8.999999760e-01, v48;
	v15 =	vmul.f32 $1.000000010e-01, v15;
	v19 =	vld.idx.msk [tilespmem:v19+s12+$0x0], $0xffff  }
0x1e4: {  	[tilespmem:s23+$0xFFFFFFE0] =	vst v20;
	v28 =	vmul.f32 $1.000000010e-01, v28;
	v26 =	vadd.f32 v47, v46;
	v25 =	vmul.f32 $8.999999760e-01, v41;
	v50 =	vld [tilespmem:s17+$0xFFFFFFC0]  }
0x1e5: {  	v9 =	vld.idx.msk [tilespmem:v9+s12+$0x0], $0xffff;
	v15 =	vadd.f32 v15, v53  }
0x1e6: {  	v45 =	vor.u32 s2, v5;
	[tilespmem:s30+$0x40] =	vst v26;
	v51 =	vld [tilespmem:s26+$0xFFFFFFD0];
	v25 =	vadd.f32 v28, v25  }
0x1e7: {  	v54 =	vld [tilespmem:s31+$0x50];
	[tilespmem:s30+$0xFFFFFFC0] =	vst v15;
	v52 =	vor.u32 s6, v5;
	v24 =	vmul.f32 $8.999999760e-01, v43;
	v16 =	vmul.f32 $1.000000010e-01, v44  }
0x1e8: {  	v55 =	vor.u32 s7, v5;
	v13 =	vld.idx.msk [tilespmem:v13+s12+$0x0], $0xffff  }
0x1e9: {  	v63 =	vld [tilespmem:s31+$0xFFFFFFD0];
	[tilespmem:s25+$0x60] =	vst v25;
	v16 =	vadd.f32 v16, v24;
	v57 =	vmul.f32 $8.999999760e-01, v50;
	v19 =	vmul.f32 $1.000000010e-01, v19  }
0x1ea: {  	v56 =	vld [tilespmem:s26+$0x70]  }
0x1eb: {  	v14 =	vmul.f32 $1.000000010e-01, v14;
	v59 =	vmul.f32 $8.999999760e-01, v51;
	v23 =	vld.idx.msk [tilespmem:v45+s12+$0x0], $0xffff;
	[tilespmem:s11+$0x40] =	vst v16;
	v16 =	vadd.f32 v19, v57  }
0x1ec: {  	v58 =	vld.idx.msk [tilespmem:v52+s12+$0x0], $0xffff  }
0x1ed: {  	v49 =	vor.u32 s29, v7;
	v14 =	vadd.f32 v14, v59;
	v60 =	vld [tilespmem:s17+$0x50];
	[tilespmem:s11+$0xFFFFFFC0] =	vst v16  }
0x1ee: {  	v13 =	vmul.f32 $1.000000010e-01, v13;
	v34 =	vmul.f32 $8.999999760e-01, v63;
	v28 =	vld.idx.msk [tilespmem:v55+s12+$0x0], $0xffff  }
0x1ef: {  	v61 =	vor.u32 s2, v6;
	[tilespmem:s25+$0xFFFFFFD0] =	vst v14;
	v29 =	vld [tilespmem:s17+$0xFFFFFFD0]  }
0x1f0: {  	v62 =	vmul.f32 $8.999999760e-01, v54;
	v13 =	vadd.f32 v13, v34;
	v10 =	vld.idx.msk [tilespmem:v10+s12+$0x0], $0xffff;
	v23 =	vmul.f32 $1.000000010e-01, v23  }
0x1f1: {  	v31 =	vor.u32 s6, v6;
	v36 =	vld [tilespmem:s26+$0xFFFFFFE0]  }
0x1f2: {  	v22 =	vld.idx.msk [tilespmem:v49+s12+$0x0], $0xffff;
	[tilespmem:s30+$0xFFFFFFD0] =	vst v13;
	v27 =	vadd.f32 v23, v62;
	v15 =	vmul.f32 $8.999999760e-01, v60;
	v32 =	vmul.f32 $1.000000010e-01, v58  }
0x1f3: {  	v35 =	vor.u32 s7, v6;
	v12 =	vld.idx.msk [tilespmem:v12+s12+$0x0], $0xffff  }
0x1f4: {  	v40 =	vld [tilespmem:s31+$0xFFFFFFE0];
	[tilespmem:s30+$0x50] =	vst v27;
	v15 =	vadd.f32 v32, v15;
	v14 =	vmul.f32 $8.999999760e-01, v29;
	v37 =	vmul.f32 $1.000000010e-01, v28  }
0x1f5: {  	v19 =	vld.idx.msk [tilespmem:v61+s12+$0x0], $0xffff  }
0x1f6: {  	v33 =	vld [tilespmem:s31+$0x60];
	[tilespmem:s11+$0x50] =	vst v15;
	v14 =	vadd.f32 v37, v14  }
0x1f7: {  	v20 =	vmul.f32 $8.999999760e-01, v36;
	v10 =	vmul.f32 $1.000000010e-01, v10;
	v16 =	vld.idx.msk [tilespmem:v31+s12+$0x0], $0xffff  }
0x1f8: {  	v38 =	vld [tilespmem:s17+$0x60];
	[tilespmem:s11+$0xFFFFFFD0] =	vst v14  }
0x1f9: {  	v10 =	vadd.f32 v10, v20;
	v23 =	vmul.f32 $8.999999760e-01, v40;
	v12 =	vmul.f32 $1.000000010e-01, v12;
	v42 =	vld.idx.msk [tilespmem:v35+s12+$0x0], $0xffff  }
0x1fa: {  	v39 =	vor.u32 s2, v7;
	v43 =	vld [tilespmem:s17+$0xFFFFFFE0]  }
0x1fb: {  	v44 =	vld [tilespmem:s24+$0xFFFFFFF0];
	[tilespmem:s25+$0xFFFFFFE0] =	vst v10;
	v12 =	vadd.f32 v12, v23;
	v21 =	vmul.f32 $8.999999760e-01, v33;
	v19 =	vmul.f32 $1.000000010e-01, v19  }
0x1fc: {  	v45 =	vor.u32 s6, v7;
	v8 =	vld.idx.msk [tilespmem:v8+s12+$0x0], $0xffff  }
0x1fd: {  	v48 =	vld [tilespmem:s26+$0xFFFFFFF0];
	[tilespmem:s30+$0xFFFFFFE0] =	vst v12;
	v41 =	vadd.f32 v19, v21;
	v13 =	vmul.f32 $8.999999760e-01, v38;
	v16 =	vmul.f32 $1.000000010e-01, v16  }
0x1fe: {  	v47 =	vor.u32 s7, v7;
	v11 =	vld.idx.msk [tilespmem:v11+s12+$0x0], $0xffff  }
0x1ff: {  	v51 =	vld [tilespmem:s31+$0xFFFFFFF0];
	[tilespmem:s30+$0x60] =	vst v41;
	v13 =	vadd.f32 v16, v13;
	v49 =	vmul.f32 $8.999999760e-01, v43;
	v19 =	vmul.f32 $1.000000010e-01, v42  }
0x200: {  	v15 =	vld.idx.msk [tilespmem:v39+s12+$0x0], $0xffff  }
0x201: {  	v46 =	vld [tilespmem:s31+$0x70];
	[tilespmem:s11+$0x60] =	vst v13;
	v13 =	vadd.f32 v19, v49  }
0x202: {  	v18 =	vmul.f32 $1.000000010e-01, v18;
	v14 =	vld.idx.msk [tilespmem:v45+s12+$0x0], $0xffff  }
0x203: {  	v17 =	vmul.f32 $8.999999760e-01, v17;
	v52 =	vmul.f32 $8.999999760e-01, v56;
	v50 =	vld [tilespmem:s17+$0x70];
	[tilespmem:s11+$0xFFFFFFE0] =	vst v13  }
0x204: {  	v8 =	vmul.f32 $1.000000010e-01, v8;
	v56 =	vmul.f32 $8.999999760e-01, v48;
	v16 =	vld.idx.msk [tilespmem:v47+s12+$0x0], $0xffff  }
0x205: {  	v9 =	vmul.f32 $1.000000010e-01, v9;
	v17 =	vadd.f32 v18, v17;
	v54 =	vmul.f32 $8.999999760e-01, v44;
	v55 =	vld [tilespmem:s17+$0xFFFFFFF0]  }
0x206: {  	v8 =	vadd.f32 v8, v56;
	v58 =	vmul.f32 $1.000000010e-01, v11;
	v59 =	vmul.f32 $8.999999760e-01, v51  }
0x207: {  	[tilespmem:s22+$0xFFFFFFF0] =	vst v17;
	v9 =	vadd.f32 v9, v54;
	v10 =	vmul.f32 $8.999999760e-01, v46;
	v15 =	vmul.f32 $1.000000010e-01, v15  }
0x208: {  	v53 =	vmul.f32 $1.000000010e-01, v22;
	[tilespmem:s25+$0xFFFFFFF0] =	vst v8;
	v8 =	vadd.f32 v58, v59  }
0x209: {  	[tilespmem:s23+$0xFFFFFFF0] =	vst v9;
	v10 =	vadd.f32 v15, v10;
	v12 =	vmul.f32 $8.999999760e-01, v50;
	v57 =	vmul.f32 $1.000000010e-01, v14  }
0x20a: {  	[tilespmem:s30+$0xFFFFFFF0] =	vst v8;
	v13 =	vadd.f32 v53, v52;
	v61 =	vmul.f32 $1.000000010e-01, v16;
	v62 =	vmul.f32 $8.999999760e-01, v55  }
.Ltmp4:
0x20b: {  	[tilespmem:s30+$0x70] =	vst v10;
	v60 =	vadd.f32 v57, v12;
	(pc) =	sbr.rel @p1 .LBB2_8-.Ltmp4, $4  }
0x20c: {  	[tilespmem:s25+$0x70] =	vst v13;
	v63 =	vadd.f32 v61, v62  }
0x20d: {  	s0 =	sshll.u32 s0, $0x4;
	[tilespmem:s11+$0x70] =	vst v60  }
0x20e: {  	s0 =	sadd.s32 s3, s0;
	[tilespmem:s11+$0xFFFFFFF0] =	vst v63  }
0x20f: {  	[hbm4b:s0+s4] =	stream.linear.scatter [tilespmem:s16], [sflag:$0x4], $0x5400, $0x38;
	[tilespmem:$0x15000] =	vst v63  }
.Ltmp5:
0x210: {  	(pc) =	sbr.rel .LBB2_2-.Ltmp5, $4  }
0x211: {  	s0 =	sadd.s32 s21, s10  }
0x212: {  	s0 =	sshll.u32 s0, $0x4  }
0x213: {  	s20 =	sadd.s32 $0x1, s20;
	s0 =	sadd.s32 s1, s0  }
0x214: {  	[tilespmem:s12], [sflag:$0x2] =	stream.linear.gather [hbm4b:s0+s4], $0x5400, $0x38;
	[tilespmem:$0x15000] =	vst v63  }
.LBB2_9:
0x215: {  	_ =	sfence.sel $0x180000  }
0x216: {  	[bflag:$0x0] =	sbarrier.arrive $0xFFFF  }
0x217: {  	_ =	strace $0x90000047  }
0x218: {  	s0 =	stileid.u32;
	[bflag:$0x2] =	sbarrier.arrive $0xFFFF  }
0x219: {  	p0 =	sne.s32 s0, $0x0;
	s0 =	rddreg [dreg:$0x2]  }
0x21a: {  	s0 =	sadd.s32 @!p0 $0x100000, s0  }
0x21b: {  	[sflag:s0] =	ssyncadd.tile.s32 @!p0 $0x1;
	_ =	shalt  }
.Lfunc_end2:
_tile_overlayer_lowered:
.L_overlay_start_2:
0x21c: {  	(tag) =	ssettag $0x2  }
0x21d: {  	s0 =	rddreg [dreg:$0x0];
	s2 =	stileid.u32  }
0x21e: {  	s1 =	rddreg [dreg:$0x1];
	p0 =	sne.s32 s2, $0x0  }
0x21f: {  	s3 =	rddreg [dreg:$0x2];
	[bflag:$0x3] =	sbarrier.arrive $0xFFFF;
	s2 =	simm.s32 @!p0 $0x1C05  }
0x220: {  	[timem:s3], [sflag:s2] =	dma.local @!p0 [hbm:s0], s1  }
0x221: {  	s0 =	simm.s32 @!p0 $0x5  }
0x222: {  	_ =	swait.ge @!p0 [sflag:s0], s1  }
0x223: {  	s1 =	ssub.s32 @!p0 $0x0, s1;
	[sflag:s0] =	ssyncset.done @!p0 $0x0  }
0x224: {  	[sflag:s0] =	ssyncadd.s32 @!p0 s1  }
0x225: {  	[bflag:$0x3] =	sbarrier.arrive $0xFFFF  }
0x226: {  	_ =	shalt  }

</sc_bundles>
